<compile_context>
chip_gen: v7x
topology: tpu7x:2x2x1
jax: 0.10.2.dev20260603
libtpu: 0.0.44.dev20260713+nightly
codegen_flags: <defaults>
</compile_context>

<pallas_src>
import jax
import jax.numpy as jnp
from jax import lax
from jax.experimental import pallas as pl
from jax.experimental.pallas import tpu as pltpu
from jax.experimental.pallas import tpu_sc as plsc

_N_COARSE = 40962
_N_NEW = 122880
_D = 128
_LANES = 16
_NC, _NS = 2, 16
_NW = _NC * _NS

_ROWS_W = _N_NEW // _NW
_B = 128
_NCH = _ROWS_W // _B
_NPAIR = _NCH // 2
_CPY_W = _N_COARSE // _NW
_CB = 128
_NCPY = _CPY_W // _CB
_CPY_REM = _N_COARSE - _CPY_W * _NW


def _body(x, ic, out, gab0, gab1, ob0, ob1, rbuf, icv,
          semg0, semg1, sems0, sems1, semcl0, semcl1, semcs0, semcs1, semr):
    gabs = (gab0, gab1)
    obs = (ob0, ob1)
    semg = (semg0, semg1)
    sems = (sems0, sems1)
    semcl = (semcl0, semcl1)
    semcs = (semcs0, semcs1)
    cid = lax.axis_index("c")
    sid = lax.axis_index("s")
    wid = sid * _NC + cid

    pltpu.sync_copy(ic.at[pl.ds(wid * 2 * _ROWS_W, 2 * _ROWS_W)], icv)

    def start_gather(c, i):
        pltpu.async_copy(x.at[icv.at[pl.ds(c * 2 * _B, 2 * _B)]],
                         gabs[i], semg[i])

    def wait_gather(i):
        pltpu.make_async_copy(x.at[pl.ds(0, 2 * _B)], gabs[i], semg[i]).wait()

    def start_store(c, i):
        base = _N_COARSE + wid * _ROWS_W + c * _B
        pltpu.async_copy(obs[i], out.at[pl.ds(base, _B)], sems[i])

    def wait_store(i):
        pltpu.make_async_copy(obs[i], out.at[pl.ds(0, _B)], sems[i]).wait()

    def avg(i):
        g = gabs[i]
        o = obs[i]

        @plsc.parallel_loop(0, _B, step=1, unroll=4)
        def _rows(row):
            for v in range(_D // _LANES):
                sl = pl.ds(v * _LANES, _LANES)
                o[row, sl] = (g[row, sl] + g[_B + row, sl]) * 0.5

    start_gather(0, 0)
    start_gather(1, 1)

    def cload(t, j):
        pltpu.async_copy(x.at[pl.ds(wid * _CPY_W + t * _CB, _CB)],
                         obs[j], semcl[j])

    def cload_wait(j):
        pltpu.make_async_copy(x.at[pl.ds(0, _CB)], obs[j], semcl[j]).wait()

    def cstore(t, j):
        pltpu.async_copy(obs[j], out.at[pl.ds(wid * _CPY_W + t * _CB, _CB)],
                         semcs[j])

    def cstore_wait(j):
        pltpu.make_async_copy(obs[j], out.at[pl.ds(0, _CB)], semcs[j]).wait()

    cload(0, 0)
    for t in range(_NCPY):
        j = t & 1
        if t + 1 < _NCPY:
            if t >= 1:
                cstore_wait(1 - j)
            cload(t + 1, 1 - j)
        cload_wait(j)
        cstore(t, j)
    cstore_wait((_NCPY - 1) & 1)
    cstore_wait((_NCPY - 2) & 1)

    @pl.when(wid == _NW - 1)
    def _rem_load():
        pltpu.async_copy(x.at[pl.ds(_NW * _CPY_W, _CPY_REM)], rbuf, semr)

    def pair(p, carry):
        for i in range(2):
            c = 2 * p + i
            wait_gather(i)

            @pl.when(c >= 2)
            def _ws():
                wait_store(i)

            avg(i)
            start_store(c, i)

            @pl.when(p < _NPAIR - 1)
            def _ng():
                start_gather(c + 2, i)

        return carry

    lax.fori_loop(0, _NPAIR, pair, 0)
    wait_store(0)
    wait_store(1)

    @pl.when(wid == _NW - 1)
    def _rem_store():
        pltpu.make_async_copy(x.at[pl.ds(0, _CPY_REM)], rbuf, semr).wait()
        pltpu.async_copy(rbuf, out.at[pl.ds(_NW * _CPY_W, _CPY_REM)], semr)
        pltpu.make_async_copy(rbuf, out.at[pl.ds(0, _CPY_REM)], semr).wait()


@jax.jit
def kernel(x, upsample_index):
    ic = (upsample_index.reshape(_N_NEW // _B, _B, 2)
          .transpose(0, 2, 1).reshape(-1))
    f = pl.kernel(
        _body,
        out_type=jax.ShapeDtypeStruct((_N_COARSE + _N_NEW, _D), jnp.float32),
        mesh=plsc.VectorSubcoreMesh(
            core_axis_name="c", subcore_axis_name="s",
            num_cores=_NC, num_subcores=_NS,
        ),
        scratch_types=[
            pltpu.VMEM((2 * _B, _D), jnp.float32),
            pltpu.VMEM((2 * _B, _D), jnp.float32),
            pltpu.VMEM((_B, _D), jnp.float32),
            pltpu.VMEM((_B, _D), jnp.float32),
            pltpu.VMEM((_CPY_REM, _D), jnp.float32),
            pltpu.VMEM((2 * _ROWS_W,), jnp.int32),
            pltpu.SemaphoreType.DMA,
            pltpu.SemaphoreType.DMA,
            pltpu.SemaphoreType.DMA,
            pltpu.SemaphoreType.DMA,
            pltpu.SemaphoreType.DMA,
            pltpu.SemaphoreType.DMA,
            pltpu.SemaphoreType.DMA,
            pltpu.SemaphoreType.DMA,
            pltpu.SemaphoreType.DMA,
        ],
        compiler_params=pltpu.CompilerParams(use_tc_tiling_on_sc=False),
    )
    return f(x, ic)

# --- scband reference (transcript-rebuilt; emitter-appended) ---
"""Pipeline reference for scband-icosahedron-un-pooling-38654705664296 (READ-ONLY COPY).

The authoritative reference and input builder live on the scoring server;
editing this copy changes nothing except your own understanding.
"""

import jax, jax.numpy as jnp
import numpy as np

N_COARSE = 40962  # icosahedron level 6 vertex count (10*4^6 + 2)
N_NEW = 122880    # new vertices added at level 7 (30*4^6)
D = 128

def setup_inputs(seed: int = 0) -> dict:
    key = jax.random.key(seed)
    k1, k2 = jax.random.split(key)
    x = jax.random.normal(k1, (N_COARSE, D), dtype=jnp.float32)
    # unpooling_index buffer: each new vertex is the midpoint of two coarse vertices
    upsample_index = jax.random.randint(k2, (N_NEW, 2), 0, N_COARSE, dtype=jnp.int32)
    return {"x": x, "upsample_index": upsample_index}

def reference(x, upsample_index):
    # x_up = (x[index[:, 0]] + x[index[:, 1]]) / 2
    x_up = (jnp.take(x, upsample_index[:, 0], axis=0) + jnp.take(x, upsample_index[:, 1], axis=0)) / 2.0
    # x = torch.cat([x, x_up], dim=0); self.linear is None in this config
    out = jnp.concatenate([x, x_up], axis=0)
    return out

if __name__ == "__main__":
    import jax
    _d = setup_inputs()
    print(jax.jit(kernel)(*tuple(_d.values())))

</pallas_src>

<mosaic_0001>
#map = affine_map<(d0, d1) -> (0, 0)>
#map1 = affine_map<(d0, d1) -> (0)>
module attributes {stable_mosaic.version = 14 : i64} {
  func.func @_body(%arg0: i32, %arg1: i32, %arg2: memref<40962x128xf32, #tpu.memory_space<hbm>>, %arg3: memref<245760xi32, #tpu.memory_space<hbm>>, %arg4: memref<163842x128xf32, #tpu.memory_space<hbm>>, %arg5: memref<256x128xf32, #tpu.memory_space<vmem>>, %arg6: memref<256x128xf32, #tpu.memory_space<vmem>>, %arg7: memref<128x128xf32, #tpu.memory_space<vmem>>, %arg8: memref<128x128xf32, #tpu.memory_space<vmem>>, %arg9: memref<2x128xf32, #tpu.memory_space<vmem>>, %arg10: memref<7680xi32, #tpu.memory_space<vmem>>, %arg11: memref<!tpu.dma_semaphore, #tpu.memory_space<semaphore_mem>>, %arg12: memref<!tpu.dma_semaphore, #tpu.memory_space<semaphore_mem>>, %arg13: memref<!tpu.dma_semaphore, #tpu.memory_space<semaphore_mem>>, %arg14: memref<!tpu.dma_semaphore, #tpu.memory_space<semaphore_mem>>, %arg15: memref<!tpu.dma_semaphore, #tpu.memory_space<semaphore_mem>>, %arg16: memref<!tpu.dma_semaphore, #tpu.memory_space<semaphore_mem>>, %arg17: memref<!tpu.dma_semaphore, #tpu.memory_space<semaphore_mem>>, %arg18: memref<!tpu.dma_semaphore, #tpu.memory_space<semaphore_mem>>, %arg19: memref<!tpu.dma_semaphore, #tpu.memory_space<semaphore_mem>>) attributes {dimension_semantics = [#tpu.dimension_semantics<core_parallel>, #tpu.dimension_semantics<subcore_parallel>], iteration_bounds = array<i64: 2, 16>, scalar_prefetch = 0 : i64, scratch_operands = 15 : i64, tpu.core_type = #tpu.core_type<sc_vector_subcore>, window_params = [{transform_indices = #map}, {transform_indices = #map1}, {transform_indices = #map}]} {
    %mul3A = arith.constant 2 : i32
    %mul3A_0 = arith.muli %arg1, %mul3A : i32
    %add3A = arith.addi %mul3A_0, %arg0 : i32
    %mul3A_1 = arith.constant 2 : i32
    %mul3A_2 = arith.muli %add3A, %mul3A_1 : i32
    %mul3A_3 = arith.constant 3840 : i32
    %mul3A_4 = arith.muli %mul3A_2, %mul3A_3 : i32
    "tpu.region"() ({
      %run_scoped3A = tpu.sem_alloc : memref<!tpu.dma_semaphore, #tpu.memory_space<semaphore_mem>>
      %dma_start3A_317 = tpu.memref_slice %arg3[%mul3A_4] : memref<245760xi32, #tpu.memory_space<hbm>> -> memref<7680xi32, #tpu.memory_space<hbm>>
      %dma_start3A_318 = tpu.memref_slice %arg3[%mul3A_4] : memref<245760xi32, #tpu.memory_space<hbm>> -> memref<7680xi32, #tpu.memory_space<hbm>>
      tpu.enqueue_dma source(%dma_start3A_318 : memref<7680xi32, #tpu.memory_space<hbm>>) target(%arg10 : memref<7680xi32, #tpu.memory_space<vmem>>) target_semaphore(%run_scoped3A : memref<!tpu.dma_semaphore, #tpu.memory_space<semaphore_mem>>)
      %dma_wait3A_319 = tpu.memref_slice %arg3[%mul3A_4] : memref<245760xi32, #tpu.memory_space<hbm>> -> memref<7680xi32, #tpu.memory_space<hbm>>
      %dma_wait3A_320 = tpu.memref_slice %arg3[%mul3A_4] : memref<245760xi32, #tpu.memory_space<hbm>> -> memref<7680xi32, #tpu.memory_space<hbm>>
      tpu.wait_dma2 semaphore(%run_scoped3A : memref<!tpu.dma_semaphore, #tpu.memory_space<semaphore_mem>>) src(%dma_wait3A_320 : memref<7680xi32, #tpu.memory_space<hbm>>) dst(%arg10 : memref<7680xi32, #tpu.memory_space<vmem>>)
      tpu.yield
    }) : () -> ()
    %dma_start3A = arith.constant 0 : i32
    %dma_start3A_5 = tpu.memref_slice %arg10[%dma_start3A] : memref<7680xi32, #tpu.memory_space<vmem>> -> memref<256xi32, #tpu.memory_space<vmem>>
    %dma_start3A_6 = arith.constant 0 : i32
    %dma_start3A_7 = arith.constant 0 : i32
    %dma_start3A_8 = tpu.memref_slice %arg2[%dma_start3A_6, %dma_start3A_7] : memref<40962x128xf32, #tpu.memory_space<hbm>> -> memref<40962x128xf32, #tpu.memory_space<hbm>>
    tpu.enqueue_indirect_dma source(%dma_start3A_8 : memref<40962x128xf32, #tpu.memory_space<hbm>>) target(%arg5 : memref<256x128xf32, #tpu.memory_space<vmem>>) offsets(%dma_start3A_5 : memref<256xi32, #tpu.memory_space<vmem>>) semaphore(%arg11 : memref<!tpu.dma_semaphore, #tpu.memory_space<semaphore_mem>>)
    %dma_start3A_9 = arith.constant 256 : i32
    %dma_start3A_10 = tpu.memref_slice %arg10[%dma_start3A_9] : memref<7680xi32, #tpu.memory_space<vmem>> -> memref<256xi32, #tpu.memory_space<vmem>>
    %dma_start3A_11 = arith.constant 0 : i32
    %dma_start3A_12 = arith.constant 0 : i32
    %dma_start3A_13 = tpu.memref_slice %arg2[%dma_start3A_11, %dma_start3A_12] : memref<40962x128xf32, #tpu.memory_space<hbm>> -> memref<40962x128xf32, #tpu.memory_space<hbm>>
    tpu.enqueue_indirect_dma source(%dma_start3A_13 : memref<40962x128xf32, #tpu.memory_space<hbm>>) target(%arg6 : memref<256x128xf32, #tpu.memory_space<vmem>>) offsets(%dma_start3A_10 : memref<256xi32, #tpu.memory_space<vmem>>) semaphore(%arg12 : memref<!tpu.dma_semaphore, #tpu.memory_space<semaphore_mem>>)
    %mul3A_14 = arith.constant 1280 : i32
    %mul3A_15 = arith.muli %add3A, %mul3A_14 : i32
    %add3A_16 = arith.constant 0 : i32
    %add3A_17 = arith.addi %mul3A_15, %add3A_16 : i32
    %dma_start3A_18 = arith.constant 0 : i32
    %dma_start3A_19 = tpu.memref_slice %arg2[%add3A_17, %dma_start3A_18] : memref<40962x128xf32, #tpu.memory_space<hbm>> -> memref<128x128xf32, #tpu.memory_space<hbm>>
    %dma_start3A_20 = arith.constant 0 : i32
    %dma_start3A_21 = tpu.memref_slice %arg2[%add3A_17, %dma_start3A_20] : memref<40962x128xf32, #tpu.memory_space<hbm>> -> memref<128x128xf32, #tpu.memory_space<hbm>>
    tpu.enqueue_dma source(%dma_start3A_21 : memref<128x128xf32, #tpu.memory_space<hbm>>) target(%arg7 : memref<128x128xf32, #tpu.memory_space<vmem>>) target_semaphore(%arg15 : memref<!tpu.dma_semaphore, #tpu.memory_space<semaphore_mem>>)
    %mul3A_22 = arith.constant 1280 : i32
    %mul3A_23 = arith.muli %add3A, %mul3A_22 : i32
    %add3A_24 = arith.constant 128 : i32
    %add3A_25 = arith.addi %mul3A_23, %add3A_24 : i32
    %dma_start3A_26 = arith.constant 0 : i32
    %dma_start3A_27 = tpu.memref_slice %arg2[%add3A_25, %dma_start3A_26] : memref<40962x128xf32, #tpu.memory_space<hbm>> -> memref<128x128xf32, #tpu.memory_space<hbm>>
    %dma_start3A_28 = arith.constant 0 : i32
    %dma_start3A_29 = tpu.memref_slice %arg2[%add3A_25, %dma_start3A_28] : memref<40962x128xf32, #tpu.memory_space<hbm>> -> memref<128x128xf32, #tpu.memory_space<hbm>>
    tpu.enqueue_dma source(%dma_start3A_29 : memref<128x128xf32, #tpu.memory_space<hbm>>) target(%arg8 : memref<128x128xf32, #tpu.memory_space<vmem>>) target_semaphore(%arg16 : memref<!tpu.dma_semaphore, #tpu.memory_space<semaphore_mem>>)
    %dma_wait3A = arith.constant 0 : i32
    %dma_wait3A_30 = arith.constant 0 : i32
    %dma_wait3A_31 = tpu.memref_slice %arg2[%dma_wait3A, %dma_wait3A_30] : memref<40962x128xf32, #tpu.memory_space<hbm>> -> memref<128x128xf32, #tpu.memory_space<hbm>>
    %dma_wait3A_32 = arith.constant 0 : i32
    %dma_wait3A_33 = arith.constant 0 : i32
    %dma_wait3A_34 = tpu.memref_slice %arg2[%dma_wait3A_32, %dma_wait3A_33] : memref<40962x128xf32, #tpu.memory_space<hbm>> -> memref<128x128xf32, #tpu.memory_space<hbm>>
    tpu.wait_dma2 semaphore(%arg15 : memref<!tpu.dma_semaphore, #tpu.memory_space<semaphore_mem>>) src(%dma_wait3A_34 : memref<128x128xf32, #tpu.memory_space<hbm>>) dst(%arg7 : memref<128x128xf32, #tpu.memory_space<vmem>>)
    %mul3A_35 = arith.constant 1280 : i32
    %mul3A_36 = arith.muli %add3A, %mul3A_35 : i32
    %add3A_37 = arith.constant 0 : i32
    %add3A_38 = arith.addi %mul3A_36, %add3A_37 : i32
    %dma_start3A_39 = arith.constant 0 : i32
    %dma_start3A_40 = tpu.memref_slice %arg4[%add3A_38, %dma_start3A_39] : memref<163842x128xf32, #tpu.memory_space<hbm>> -> memref<128x128xf32, #tpu.memory_space<hbm>>
    %dma_start3A_41 = arith.constant 0 : i32
    %dma_start3A_42 = tpu.memref_slice %arg4[%add3A_38, %dma_start3A_41] : memref<163842x128xf32, #tpu.memory_space<hbm>> -> memref<128x128xf32, #tpu.memory_space<hbm>>
    tpu.enqueue_dma source(%arg7 : memref<128x128xf32, #tpu.memory_space<vmem>>) target(%dma_start3A_42 : memref<128x128xf32, #tpu.memory_space<hbm>>) target_semaphore(%arg17 : memref<!tpu.dma_semaphore, #tpu.memory_space<semaphore_mem>>)
    %dma_wait3A_43 = arith.constant 0 : i32
    %dma_wait3A_44 = arith.constant 0 : i32
    %dma_wait3A_45 = tpu.memref_slice %arg4[%dma_wait3A_43, %dma_wait3A_44] : memref<163842x128xf32, #tpu.memory_space<hbm>> -> memref<128x128xf32, #tpu.memory_space<hbm>>
    %dma_wait3A_46 = arith.constant 0 : i32
    %dma_wait3A_47 = arith.constant 0 : i32
    %dma_wait3A_48 = tpu.memref_slice %arg4[%dma_wait3A_46, %dma_wait3A_47] : memref<163842x128xf32, #tpu.memory_space<hbm>> -> memref<128x128xf32, #tpu.memory_space<hbm>>
    tpu.wait_dma2 semaphore(%arg17 : memref<!tpu.dma_semaphore, #tpu.memory_space<semaphore_mem>>) src(%arg7 : memref<128x128xf32, #tpu.memory_space<vmem>>) dst(%dma_wait3A_48 : memref<128x128xf32, #tpu.memory_space<hbm>>)
    %mul3A_49 = arith.constant 1280 : i32
    %mul3A_50 = arith.muli %add3A, %mul3A_49 : i32
    %add3A_51 = arith.constant 256 : i32
    %add3A_52 = arith.addi %mul3A_50, %add3A_51 : i32
    %dma_start3A_53 = arith.constant 0 : i32
    %dma_start3A_54 = tpu.memref_slice %arg2[%add3A_52, %dma_start3A_53] : memref<40962x128xf32, #tpu.memory_space<hbm>> -> memref<128x128xf32, #tpu.memory_space<hbm>>
    %dma_start3A_55 = arith.constant 0 : i32
    %dma_start3A_56 = tpu.memref_slice %arg2[%add3A_52, %dma_start3A_55] : memref<40962x128xf32, #tpu.memory_space<hbm>> -> memref<128x128xf32, #tpu.memory_space<hbm>>
    tpu.enqueue_dma source(%dma_start3A_56 : memref<128x128xf32, #tpu.memory_space<hbm>>) target(%arg7 : memref<128x128xf32, #tpu.memory_space<vmem>>) target_semaphore(%arg15 : memref<!tpu.dma_semaphore, #tpu.memory_space<semaphore_mem>>)
    %dma_wait3A_57 = arith.constant 0 : i32
    %dma_wait3A_58 = arith.constant 0 : i32
    %dma_wait3A_59 = tpu.memref_slice %arg2[%dma_wait3A_57, %dma_wait3A_58] : memref<40962x128xf32, #tpu.memory_space<hbm>> -> memref<128x128xf32, #tpu.memory_space<hbm>>
    %dma_wait3A_60 = arith.constant 0 : i32
    %dma_wait3A_61 = arith.constant 0 : i32
    %dma_wait3A_62 = tpu.memref_slice %arg2[%dma_wait3A_60, %dma_wait3A_61] : memref<40962x128xf32, #tpu.memory_space<hbm>> -> memref<128x128xf32, #tpu.memory_space<hbm>>
    tpu.wait_dma2 semaphore(%arg16 : memref<!tpu.dma_semaphore, #tpu.memory_space<semaphore_mem>>) src(%dma_wait3A_62 : memref<128x128xf32, #tpu.memory_space<hbm>>) dst(%arg8 : memref<128x128xf32, #tpu.memory_space<vmem>>)
    %mul3A_63 = arith.constant 1280 : i32
    %mul3A_64 = arith.muli %add3A, %mul3A_63 : i32
    %add3A_65 = arith.constant 128 : i32
    %add3A_66 = arith.addi %mul3A_64, %add3A_65 : i32
    %dma_start3A_67 = arith.constant 0 : i32
    %dma_start3A_68 = tpu.memref_slice %arg4[%add3A_66, %dma_start3A_67] : memref<163842x128xf32, #tpu.memory_space<hbm>> -> memref<128x128xf32, #tpu.memory_space<hbm>>
    %dma_start3A_69 = arith.constant 0 : i32
    %dma_start3A_70 = tpu.memref_slice %arg4[%add3A_66, %dma_start3A_69] : memref<163842x128xf32, #tpu.memory_space<hbm>> -> memref<128x128xf32, #tpu.memory_space<hbm>>
    tpu.enqueue_dma source(%arg8 : memref<128x128xf32, #tpu.memory_space<vmem>>) target(%dma_start3A_70 : memref<128x128xf32, #tpu.memory_space<hbm>>) target_semaphore(%arg18 : memref<!tpu.dma_semaphore, #tpu.memory_space<semaphore_mem>>)
    %dma_wait3A_71 = arith.constant 0 : i32
    %dma_wait3A_72 = arith.constant 0 : i32
    %dma_wait3A_73 = tpu.memref_slice %arg4[%dma_wait3A_71, %dma_wait3A_72] : memref<163842x128xf32, #tpu.memory_space<hbm>> -> memref<128x128xf32, #tpu.memory_space<hbm>>
    %dma_wait3A_74 = arith.constant 0 : i32
    %dma_wait3A_75 = arith.constant 0 : i32
    %dma_wait3A_76 = tpu.memref_slice %arg4[%dma_wait3A_74, %dma_wait3A_75] : memref<163842x128xf32, #tpu.memory_space<hbm>> -> memref<128x128xf32, #tpu.memory_space<hbm>>
    tpu.wait_dma2 semaphore(%arg18 : memref<!tpu.dma_semaphore, #tpu.memory_space<semaphore_mem>>) src(%arg8 : memref<128x128xf32, #tpu.memory_space<vmem>>) dst(%dma_wait3A_76 : memref<128x128xf32, #tpu.memory_space<hbm>>)
    %mul3A_77 = arith.constant 1280 : i32
    %mul3A_78 = arith.muli %add3A, %mul3A_77 : i32
    %add3A_79 = arith.constant 384 : i32
    %add3A_80 = arith.addi %mul3A_78, %add3A_79 : i32
    %dma_start3A_81 = arith.constant 0 : i32
    %dma_start3A_82 = tpu.memref_slice %arg2[%add3A_80, %dma_start3A_81] : memref<40962x128xf32, #tpu.memory_space<hbm>> -> memref<128x128xf32, #tpu.memory_space<hbm>>
    %dma_start3A_83 = arith.constant 0 : i32
    %dma_start3A_84 = tpu.memref_slice %arg2[%add3A_80, %dma_start3A_83] : memref<40962x128xf32, #tpu.memory_space<hbm>> -> memref<128x128xf32, #tpu.memory_space<hbm>>
    tpu.enqueue_dma source(%dma_start3A_84 : memref<128x128xf32, #tpu.memory_space<hbm>>) target(%arg8 : memref<128x128xf32, #tpu.memory_space<vmem>>) target_semaphore(%arg16 : memref<!tpu.dma_semaphore, #tpu.memory_space<semaphore_mem>>)
    %dma_wait3A_85 = arith.constant 0 : i32
    %dma_wait3A_86 = arith.constant 0 : i32
    %dma_wait3A_87 = tpu.memref_slice %arg2[%dma_wait3A_85, %dma_wait3A_86] : memref<40962x128xf32, #tpu.memory_space<hbm>> -> memref<128x128xf32, #tpu.memory_space<hbm>>
    %dma_wait3A_88 = arith.constant 0 : i32
    %dma_wait3A_89 = arith.constant 0 : i32
    %dma_wait3A_90 = tpu.memref_slice %arg2[%dma_wait3A_88, %dma_wait3A_89] : memref<40962x128xf32, #tpu.memory_space<hbm>> -> memref<128x128xf32, #tpu.memory_space<hbm>>
    tpu.wait_dma2 semaphore(%arg15 : memref<!tpu.dma_semaphore, #tpu.memory_space<semaphore_mem>>) src(%dma_wait3A_90 : memref<128x128xf32, #tpu.memory_space<hbm>>) dst(%arg7 : memref<128x128xf32, #tpu.memory_space<vmem>>)
    %mul3A_91 = arith.constant 1280 : i32
    %mul3A_92 = arith.muli %add3A, %mul3A_91 : i32
    %add3A_93 = arith.constant 256 : i32
    %add3A_94 = arith.addi %mul3A_92, %add3A_93 : i32
    %dma_start3A_95 = arith.constant 0 : i32
    %dma_start3A_96 = tpu.memref_slice %arg4[%add3A_94, %dma_start3A_95] : memref<163842x128xf32, #tpu.memory_space<hbm>> -> memref<128x128xf32, #tpu.memory_space<hbm>>
    %dma_start3A_97 = arith.constant 0 : i32
    %dma_start3A_98 = tpu.memref_slice %arg4[%add3A_94, %dma_start3A_97] : memref<163842x128xf32, #tpu.memory_space<hbm>> -> memref<128x128xf32, #tpu.memory_space<hbm>>
    tpu.enqueue_dma source(%arg7 : memref<128x128xf32, #tpu.memory_space<vmem>>) target(%dma_start3A_98 : memref<128x128xf32, #tpu.memory_space<hbm>>) target_semaphore(%arg17 : memref<!tpu.dma_semaphore, #tpu.memory_space<semaphore_mem>>)
    %dma_wait3A_99 = arith.constant 0 : i32
    %dma_wait3A_100 = arith.constant 0 : i32
    %dma_wait3A_101 = tpu.memref_slice %arg4[%dma_wait3A_99, %dma_wait3A_100] : memref<163842x128xf32, #tpu.memory_space<hbm>> -> memref<128x128xf32, #tpu.memory_space<hbm>>
    %dma_wait3A_102 = arith.constant 0 : i32
    %dma_wait3A_103 = arith.constant 0 : i32
    %dma_wait3A_104 = tpu.memref_slice %arg4[%dma_wait3A_102, %dma_wait3A_103] : memref<163842x128xf32, #tpu.memory_space<hbm>> -> memref<128x128xf32, #tpu.memory_space<hbm>>
    tpu.wait_dma2 semaphore(%arg17 : memref<!tpu.dma_semaphore, #tpu.memory_space<semaphore_mem>>) src(%arg7 : memref<128x128xf32, #tpu.memory_space<vmem>>) dst(%dma_wait3A_104 : memref<128x128xf32, #tpu.memory_space<hbm>>)
    %mul3A_105 = arith.constant 1280 : i32
    %mul3A_106 = arith.muli %add3A, %mul3A_105 : i32
    %add3A_107 = arith.constant 512 : i32
    %add3A_108 = arith.addi %mul3A_106, %add3A_107 : i32
    %dma_start3A_109 = arith.constant 0 : i32
    %dma_start3A_110 = tpu.memref_slice %arg2[%add3A_108, %dma_start3A_109] : memref<40962x128xf32, #tpu.memory_space<hbm>> -> memref<128x128xf32, #tpu.memory_space<hbm>>
    %dma_start3A_111 = arith.constant 0 : i32
    %dma_start3A_112 = tpu.memref_slice %arg2[%add3A_108, %dma_start3A_111] : memref<40962x128xf32, #tpu.memory_space<hbm>> -> memref<128x128xf32, #tpu.memory_space<hbm>>
    tpu.enqueue_dma source(%dma_start3A_112 : memref<128x128xf32, #tpu.memory_space<hbm>>) target(%arg7 : memref<128x128xf32, #tpu.memory_space<vmem>>) target_semaphore(%arg15 : memref<!tpu.dma_semaphore, #tpu.memory_space<semaphore_mem>>)
    %dma_wait3A_113 = arith.constant 0 : i32
    %dma_wait3A_114 = arith.constant 0 : i32
    %dma_wait3A_115 = tpu.memref_slice %arg2[%dma_wait3A_113, %dma_wait3A_114] : memref<40962x128xf32, #tpu.memory_space<hbm>> -> memref<128x128xf32, #tpu.memory_space<hbm>>
    %dma_wait3A_116 = arith.constant 0 : i32
    %dma_wait3A_117 = arith.constant 0 : i32
    %dma_wait3A_118 = tpu.memref_slice %arg2[%dma_wait3A_116, %dma_wait3A_117] : memref<40962x128xf32, #tpu.memory_space<hbm>> -> memref<128x128xf32, #tpu.memory_space<hbm>>
    tpu.wait_dma2 semaphore(%arg16 : memref<!tpu.dma_semaphore, #tpu.memory_space<semaphore_mem>>) src(%dma_wait3A_118 : memref<128x128xf32, #tpu.memory_space<hbm>>) dst(%arg8 : memref<128x128xf32, #tpu.memory_space<vmem>>)
    %mul3A_119 = arith.constant 1280 : i32
    %mul3A_120 = arith.muli %add3A, %mul3A_119 : i32
    %add3A_121 = arith.constant 384 : i32
    %add3A_122 = arith.addi %mul3A_120, %add3A_121 : i32
    %dma_start3A_123 = arith.constant 0 : i32
    %dma_start3A_124 = tpu.memref_slice %arg4[%add3A_122, %dma_start3A_123] : memref<163842x128xf32, #tpu.memory_space<hbm>> -> memref<128x128xf32, #tpu.memory_space<hbm>>
    %dma_start3A_125 = arith.constant 0 : i32
    %dma_start3A_126 = tpu.memref_slice %arg4[%add3A_122, %dma_start3A_125] : memref<163842x128xf32, #tpu.memory_space<hbm>> -> memref<128x128xf32, #tpu.memory_space<hbm>>
    tpu.enqueue_dma source(%arg8 : memref<128x128xf32, #tpu.memory_space<vmem>>) target(%dma_start3A_126 : memref<128x128xf32, #tpu.memory_space<hbm>>) target_semaphore(%arg18 : memref<!tpu.dma_semaphore, #tpu.memory_space<semaphore_mem>>)
    %dma_wait3A_127 = arith.constant 0 : i32
    %dma_wait3A_128 = arith.constant 0 : i32
    %dma_wait3A_129 = tpu.memref_slice %arg4[%dma_wait3A_127, %dma_wait3A_128] : memref<163842x128xf32, #tpu.memory_space<hbm>> -> memref<128x128xf32, #tpu.memory_space<hbm>>
    %dma_wait3A_130 = arith.constant 0 : i32
    %dma_wait3A_131 = arith.constant 0 : i32
    %dma_wait3A_132 = tpu.memref_slice %arg4[%dma_wait3A_130, %dma_wait3A_131] : memref<163842x128xf32, #tpu.memory_space<hbm>> -> memref<128x128xf32, #tpu.memory_space<hbm>>
    tpu.wait_dma2 semaphore(%arg18 : memref<!tpu.dma_semaphore, #tpu.memory_space<semaphore_mem>>) src(%arg8 : memref<128x128xf32, #tpu.memory_space<vmem>>) dst(%dma_wait3A_132 : memref<128x128xf32, #tpu.memory_space<hbm>>)
    %mul3A_133 = arith.constant 1280 : i32
    %mul3A_134 = arith.muli %add3A, %mul3A_133 : i32
    %add3A_135 = arith.constant 640 : i32
    %add3A_136 = arith.addi %mul3A_134, %add3A_135 : i32
    %dma_start3A_137 = arith.constant 0 : i32
    %dma_start3A_138 = tpu.memref_slice %arg2[%add3A_136, %dma_start3A_137] : memref<40962x128xf32, #tpu.memory_space<hbm>> -> memref<128x128xf32, #tpu.memory_space<hbm>>
    %dma_start3A_139 = arith.constant 0 : i32
    %dma_start3A_140 = tpu.memref_slice %arg2[%add3A_136, %dma_start3A_139] : memref<40962x128xf32, #tpu.memory_space<hbm>> -> memref<128x128xf32, #tpu.memory_space<hbm>>
    tpu.enqueue_dma source(%dma_start3A_140 : memref<128x128xf32, #tpu.memory_space<hbm>>) target(%arg8 : memref<128x128xf32, #tpu.memory_space<vmem>>) target_semaphore(%arg16 : memref<!tpu.dma_semaphore, #tpu.memory_space<semaphore_mem>>)
    %dma_wait3A_141 = arith.constant 0 : i32
    %dma_wait3A_142 = arith.constant 0 : i32
    %dma_wait3A_143 = tpu.memref_slice %arg2[%dma_wait3A_141, %dma_wait3A_142] : memref<40962x128xf32, #tpu.memory_space<hbm>> -> memref<128x128xf32, #tpu.memory_space<hbm>>
    %dma_wait3A_144 = arith.constant 0 : i32
    %dma_wait3A_145 = arith.constant 0 : i32
    %dma_wait3A_146 = tpu.memref_slice %arg2[%dma_wait3A_144, %dma_wait3A_145] : memref<40962x128xf32, #tpu.memory_space<hbm>> -> memref<128x128xf32, #tpu.memory_space<hbm>>
    tpu.wait_dma2 semaphore(%arg15 : memref<!tpu.dma_semaphore, #tpu.memory_space<semaphore_mem>>) src(%dma_wait3A_146 : memref<128x128xf32, #tpu.memory_space<hbm>>) dst(%arg7 : memref<128x128xf32, #tpu.memory_space<vmem>>)
    %mul3A_147 = arith.constant 1280 : i32
    %mul3A_148 = arith.muli %add3A, %mul3A_147 : i32
    %add3A_149 = arith.constant 512 : i32
    %add3A_150 = arith.addi %mul3A_148, %add3A_149 : i32
    %dma_start3A_151 = arith.constant 0 : i32
    %dma_start3A_152 = tpu.memref_slice %arg4[%add3A_150, %dma_start3A_151] : memref<163842x128xf32, #tpu.memory_space<hbm>> -> memref<128x128xf32, #tpu.memory_space<hbm>>
    %dma_start3A_153 = arith.constant 0 : i32
    %dma_start3A_154 = tpu.memref_slice %arg4[%add3A_150, %dma_start3A_153] : memref<163842x128xf32, #tpu.memory_space<hbm>> -> memref<128x128xf32, #tpu.memory_space<hbm>>
    tpu.enqueue_dma source(%arg7 : memref<128x128xf32, #tpu.memory_space<vmem>>) target(%dma_start3A_154 : memref<128x128xf32, #tpu.memory_space<hbm>>) target_semaphore(%arg17 : memref<!tpu.dma_semaphore, #tpu.memory_space<semaphore_mem>>)
    %dma_wait3A_155 = arith.constant 0 : i32
    %dma_wait3A_156 = arith.constant 0 : i32
    %dma_wait3A_157 = tpu.memref_slice %arg4[%dma_wait3A_155, %dma_wait3A_156] : memref<163842x128xf32, #tpu.memory_space<hbm>> -> memref<128x128xf32, #tpu.memory_space<hbm>>
    %dma_wait3A_158 = arith.constant 0 : i32
    %dma_wait3A_159 = arith.constant 0 : i32
    %dma_wait3A_160 = tpu.memref_slice %arg4[%dma_wait3A_158, %dma_wait3A_159] : memref<163842x128xf32, #tpu.memory_space<hbm>> -> memref<128x128xf32, #tpu.memory_space<hbm>>
    tpu.wait_dma2 semaphore(%arg17 : memref<!tpu.dma_semaphore, #tpu.memory_space<semaphore_mem>>) src(%arg7 : memref<128x128xf32, #tpu.memory_space<vmem>>) dst(%dma_wait3A_160 : memref<128x128xf32, #tpu.memory_space<hbm>>)
    %mul3A_161 = arith.constant 1280 : i32
    %mul3A_162 = arith.muli %add3A, %mul3A_161 : i32
    %add3A_163 = arith.constant 768 : i32
    %add3A_164 = arith.addi %mul3A_162, %add3A_163 : i32
    %dma_start3A_165 = arith.constant 0 : i32
    %dma_start3A_166 = tpu.memref_slice %arg2[%add3A_164, %dma_start3A_165] : memref<40962x128xf32, #tpu.memory_space<hbm>> -> memref<128x128xf32, #tpu.memory_space<hbm>>
    %dma_start3A_167 = arith.constant 0 : i32
    %dma_start3A_168 = tpu.memref_slice %arg2[%add3A_164, %dma_start3A_167] : memref<40962x128xf32, #tpu.memory_space<hbm>> -> memref<128x128xf32, #tpu.memory_space<hbm>>
    tpu.enqueue_dma source(%dma_start3A_168 : memref<128x128xf32, #tpu.memory_space<hbm>>) target(%arg7 : memref<128x128xf32, #tpu.memory_space<vmem>>) target_semaphore(%arg15 : memref<!tpu.dma_semaphore, #tpu.memory_space<semaphore_mem>>)
    %dma_wait3A_169 = arith.constant 0 : i32
    %dma_wait3A_170 = arith.constant 0 : i32
    %dma_wait3A_171 = tpu.memref_slice %arg2[%dma_wait3A_169, %dma_wait3A_170] : memref<40962x128xf32, #tpu.memory_space<hbm>> -> memref<128x128xf32, #tpu.memory_space<hbm>>
    %dma_wait3A_172 = arith.constant 0 : i32
    %dma_wait3A_173 = arith.constant 0 : i32
    %dma_wait3A_174 = tpu.memref_slice %arg2[%dma_wait3A_172, %dma_wait3A_173] : memref<40962x128xf32, #tpu.memory_space<hbm>> -> memref<128x128xf32, #tpu.memory_space<hbm>>
    tpu.wait_dma2 semaphore(%arg16 : memref<!tpu.dma_semaphore, #tpu.memory_space<semaphore_mem>>) src(%dma_wait3A_174 : memref<128x128xf32, #tpu.memory_space<hbm>>) dst(%arg8 : memref<128x128xf32, #tpu.memory_space<vmem>>)
    %mul3A_175 = arith.constant 1280 : i32
    %mul3A_176 = arith.muli %add3A, %mul3A_175 : i32
    %add3A_177 = arith.constant 640 : i32
    %add3A_178 = arith.addi %mul3A_176, %add3A_177 : i32
    %dma_start3A_179 = arith.constant 0 : i32
    %dma_start3A_180 = tpu.memref_slice %arg4[%add3A_178, %dma_start3A_179] : memref<163842x128xf32, #tpu.memory_space<hbm>> -> memref<128x128xf32, #tpu.memory_space<hbm>>
    %dma_start3A_181 = arith.constant 0 : i32
    %dma_start3A_182 = tpu.memref_slice %arg4[%add3A_178, %dma_start3A_181] : memref<163842x128xf32, #tpu.memory_space<hbm>> -> memref<128x128xf32, #tpu.memory_space<hbm>>
    tpu.enqueue_dma source(%arg8 : memref<128x128xf32, #tpu.memory_space<vmem>>) target(%dma_start3A_182 : memref<128x128xf32, #tpu.memory_space<hbm>>) target_semaphore(%arg18 : memref<!tpu.dma_semaphore, #tpu.memory_space<semaphore_mem>>)
    %dma_wait3A_183 = arith.constant 0 : i32
    %dma_wait3A_184 = arith.constant 0 : i32
    %dma_wait3A_185 = tpu.memref_slice %arg4[%dma_wait3A_183, %dma_wait3A_184] : memref<163842x128xf32, #tpu.memory_space<hbm>> -> memref<128x128xf32, #tpu.memory_space<hbm>>
    %dma_wait3A_186 = arith.constant 0 : i32
    %dma_wait3A_187 = arith.constant 0 : i32
    %dma_wait3A_188 = tpu.memref_slice %arg4[%dma_wait3A_186, %dma_wait3A_187] : memref<163842x128xf32, #tpu.memory_space<hbm>> -> memref<128x128xf32, #tpu.memory_space<hbm>>
    tpu.wait_dma2 semaphore(%arg18 : memref<!tpu.dma_semaphore, #tpu.memory_space<semaphore_mem>>) src(%arg8 : memref<128x128xf32, #tpu.memory_space<vmem>>) dst(%dma_wait3A_188 : memref<128x128xf32, #tpu.memory_space<hbm>>)
    %mul3A_189 = arith.constant 1280 : i32
    %mul3A_190 = arith.muli %add3A, %mul3A_189 : i32
    %add3A_191 = arith.constant 896 : i32
    %add3A_192 = arith.addi %mul3A_190, %add3A_191 : i32
    %dma_start3A_193 = arith.constant 0 : i32
    %dma_start3A_194 = tpu.memref_slice %arg2[%add3A_192, %dma_start3A_193] : memref<40962x128xf32, #tpu.memory_space<hbm>> -> memref<128x128xf32, #tpu.memory_space<hbm>>
    %dma_start3A_195 = arith.constant 0 : i32
    %dma_start3A_196 = tpu.memref_slice %arg2[%add3A_192, %dma_start3A_195] : memref<40962x128xf32, #tpu.memory_space<hbm>> -> memref<128x128xf32, #tpu.memory_space<hbm>>
    tpu.enqueue_dma source(%dma_start3A_196 : memref<128x128xf32, #tpu.memory_space<hbm>>) target(%arg8 : memref<128x128xf32, #tpu.memory_space<vmem>>) target_semaphore(%arg16 : memref<!tpu.dma_semaphore, #tpu.memory_space<semaphore_mem>>)
    %dma_wait3A_197 = arith.constant 0 : i32
    %dma_wait3A_198 = arith.constant 0 : i32
    %dma_wait3A_199 = tpu.memref_slice %arg2[%dma_wait3A_197, %dma_wait3A_198] : memref<40962x128xf32, #tpu.memory_space<hbm>> -> memref<128x128xf32, #tpu.memory_space<hbm>>
    %dma_wait3A_200 = arith.constant 0 : i32
    %dma_wait3A_201 = arith.constant 0 : i32
    %dma_wait3A_202 = tpu.memref_slice %arg2[%dma_wait3A_200, %dma_wait3A_201] : memref<40962x128xf32, #tpu.memory_space<hbm>> -> memref<128x128xf32, #tpu.memory_space<hbm>>
    tpu.wait_dma2 semaphore(%arg15 : memref<!tpu.dma_semaphore, #tpu.memory_space<semaphore_mem>>) src(%dma_wait3A_202 : memref<128x128xf32, #tpu.memory_space<hbm>>) dst(%arg7 : memref<128x128xf32, #tpu.memory_space<vmem>>)
    %mul3A_203 = arith.constant 1280 : i32
    %mul3A_204 = arith.muli %add3A, %mul3A_203 : i32
    %add3A_205 = arith.constant 768 : i32
    %add3A_206 = arith.addi %mul3A_204, %add3A_205 : i32
    %dma_start3A_207 = arith.constant 0 : i32
    %dma_start3A_208 = tpu.memref_slice %arg4[%add3A_206, %dma_start3A_207] : memref<163842x128xf32, #tpu.memory_space<hbm>> -> memref<128x128xf32, #tpu.memory_space<hbm>>
    %dma_start3A_209 = arith.constant 0 : i32
    %dma_start3A_210 = tpu.memref_slice %arg4[%add3A_206, %dma_start3A_209] : memref<163842x128xf32, #tpu.memory_space<hbm>> -> memref<128x128xf32, #tpu.memory_space<hbm>>
    tpu.enqueue_dma source(%arg7 : memref<128x128xf32, #tpu.memory_space<vmem>>) target(%dma_start3A_210 : memref<128x128xf32, #tpu.memory_space<hbm>>) target_semaphore(%arg17 : memref<!tpu.dma_semaphore, #tpu.memory_space<semaphore_mem>>)
    %dma_wait3A_211 = arith.constant 0 : i32
    %dma_wait3A_212 = arith.constant 0 : i32
    %dma_wait3A_213 = tpu.memref_slice %arg4[%dma_wait3A_211, %dma_wait3A_212] : memref<163842x128xf32, #tpu.memory_space<hbm>> -> memref<128x128xf32, #tpu.memory_space<hbm>>
    %dma_wait3A_214 = arith.constant 0 : i32
    %dma_wait3A_215 = arith.constant 0 : i32
    %dma_wait3A_216 = tpu.memref_slice %arg4[%dma_wait3A_214, %dma_wait3A_215] : memref<163842x128xf32, #tpu.memory_space<hbm>> -> memref<128x128xf32, #tpu.memory_space<hbm>>
    tpu.wait_dma2 semaphore(%arg17 : memref<!tpu.dma_semaphore, #tpu.memory_space<semaphore_mem>>) src(%arg7 : memref<128x128xf32, #tpu.memory_space<vmem>>) dst(%dma_wait3A_216 : memref<128x128xf32, #tpu.memory_space<hbm>>)
    %mul3A_217 = arith.constant 1280 : i32
    %mul3A_218 = arith.muli %add3A, %mul3A_217 : i32
    %add3A_219 = arith.constant 1024 : i32
    %add3A_220 = arith.addi %mul3A_218, %add3A_219 : i32
    %dma_start3A_221 = arith.constant 0 : i32
    %dma_start3A_222 = tpu.memref_slice %arg2[%add3A_220, %dma_start3A_221] : memref<40962x128xf32, #tpu.memory_space<hbm>> -> memref<128x128xf32, #tpu.memory_space<hbm>>
    %dma_start3A_223 = arith.constant 0 : i32
    %dma_start3A_224 = tpu.memref_slice %arg2[%add3A_220, %dma_start3A_223] : memref<40962x128xf32, #tpu.memory_space<hbm>> -> memref<128x128xf32, #tpu.memory_space<hbm>>
    tpu.enqueue_dma source(%dma_start3A_224 : memref<128x128xf32, #tpu.memory_space<hbm>>) target(%arg7 : memref<128x128xf32, #tpu.memory_space<vmem>>) target_semaphore(%arg15 : memref<!tpu.dma_semaphore, #tpu.memory_space<semaphore_mem>>)
    %dma_wait3A_225 = arith.constant 0 : i32
    %dma_wait3A_226 = arith.constant 0 : i32
    %dma_wait3A_227 = tpu.memref_slice %arg2[%dma_wait3A_225, %dma_wait3A_226] : memref<40962x128xf32, #tpu.memory_space<hbm>> -> memref<128x128xf32, #tpu.memory_space<hbm>>
    %dma_wait3A_228 = arith.constant 0 : i32
    %dma_wait3A_229 = arith.constant 0 : i32
    %dma_wait3A_230 = tpu.memref_slice %arg2[%dma_wait3A_228, %dma_wait3A_229] : memref<40962x128xf32, #tpu.memory_space<hbm>> -> memref<128x128xf32, #tpu.memory_space<hbm>>
    tpu.wait_dma2 semaphore(%arg16 : memref<!tpu.dma_semaphore, #tpu.memory_space<semaphore_mem>>) src(%dma_wait3A_230 : memref<128x128xf32, #tpu.memory_space<hbm>>) dst(%arg8 : memref<128x128xf32, #tpu.memory_space<vmem>>)
    %mul3A_231 = arith.constant 1280 : i32
    %mul3A_232 = arith.muli %add3A, %mul3A_231 : i32
    %add3A_233 = arith.constant 896 : i32
    %add3A_234 = arith.addi %mul3A_232, %add3A_233 : i32
    %dma_start3A_235 = arith.constant 0 : i32
    %dma_start3A_236 = tpu.memref_slice %arg4[%add3A_234, %dma_start3A_235] : memref<163842x128xf32, #tpu.memory_space<hbm>> -> memref<128x128xf32, #tpu.memory_space<hbm>>
    %dma_start3A_237 = arith.constant 0 : i32
    %dma_start3A_238 = tpu.memref_slice %arg4[%add3A_234, %dma_start3A_237] : memref<163842x128xf32, #tpu.memory_space<hbm>> -> memref<128x128xf32, #tpu.memory_space<hbm>>
    tpu.enqueue_dma source(%arg8 : memref<128x128xf32, #tpu.memory_space<vmem>>) target(%dma_start3A_238 : memref<128x128xf32, #tpu.memory_space<hbm>>) target_semaphore(%arg18 : memref<!tpu.dma_semaphore, #tpu.memory_space<semaphore_mem>>)
    %dma_wait3A_239 = arith.constant 0 : i32
    %dma_wait3A_240 = arith.constant 0 : i32
    %dma_wait3A_241 = tpu.memref_slice %arg4[%dma_wait3A_239, %dma_wait3A_240] : memref<163842x128xf32, #tpu.memory_space<hbm>> -> memref<128x128xf32, #tpu.memory_space<hbm>>
    %dma_wait3A_242 = arith.constant 0 : i32
    %dma_wait3A_243 = arith.constant 0 : i32
    %dma_wait3A_244 = tpu.memref_slice %arg4[%dma_wait3A_242, %dma_wait3A_243] : memref<163842x128xf32, #tpu.memory_space<hbm>> -> memref<128x128xf32, #tpu.memory_space<hbm>>
    tpu.wait_dma2 semaphore(%arg18 : memref<!tpu.dma_semaphore, #tpu.memory_space<semaphore_mem>>) src(%arg8 : memref<128x128xf32, #tpu.memory_space<vmem>>) dst(%dma_wait3A_244 : memref<128x128xf32, #tpu.memory_space<hbm>>)
    %mul3A_245 = arith.constant 1280 : i32
    %mul3A_246 = arith.muli %add3A, %mul3A_245 : i32
    %add3A_247 = arith.constant 1152 : i32
    %add3A_248 = arith.addi %mul3A_246, %add3A_247 : i32
    %dma_start3A_249 = arith.constant 0 : i32
    %dma_start3A_250 = tpu.memref_slice %arg2[%add3A_248, %dma_start3A_249] : memref<40962x128xf32, #tpu.memory_space<hbm>> -> memref<128x128xf32, #tpu.memory_space<hbm>>
    %dma_start3A_251 = arith.constant 0 : i32
    %dma_start3A_252 = tpu.memref_slice %arg2[%add3A_248, %dma_start3A_251] : memref<40962x128xf32, #tpu.memory_space<hbm>> -> memref<128x128xf32, #tpu.memory_space<hbm>>
    tpu.enqueue_dma source(%dma_start3A_252 : memref<128x128xf32, #tpu.memory_space<hbm>>) target(%arg8 : memref<128x128xf32, #tpu.memory_space<vmem>>) target_semaphore(%arg16 : memref<!tpu.dma_semaphore, #tpu.memory_space<semaphore_mem>>)
    %dma_wait3A_253 = arith.constant 0 : i32
    %dma_wait3A_254 = arith.constant 0 : i32
    %dma_wait3A_255 = tpu.memref_slice %arg2[%dma_wait3A_253, %dma_wait3A_254] : memref<40962x128xf32, #tpu.memory_space<hbm>> -> memref<128x128xf32, #tpu.memory_space<hbm>>
    %dma_wait3A_256 = arith.constant 0 : i32
    %dma_wait3A_257 = arith.constant 0 : i32
    %dma_wait3A_258 = tpu.memref_slice %arg2[%dma_wait3A_256, %dma_wait3A_257] : memref<40962x128xf32, #tpu.memory_space<hbm>> -> memref<128x128xf32, #tpu.memory_space<hbm>>
    tpu.wait_dma2 semaphore(%arg15 : memref<!tpu.dma_semaphore, #tpu.memory_space<semaphore_mem>>) src(%dma_wait3A_258 : memref<128x128xf32, #tpu.memory_space<hbm>>) dst(%arg7 : memref<128x128xf32, #tpu.memory_space<vmem>>)
    %mul3A_259 = arith.constant 1280 : i32
    %mul3A_260 = arith.muli %add3A, %mul3A_259 : i32
    %add3A_261 = arith.constant 1024 : i32
    %add3A_262 = arith.addi %mul3A_260, %add3A_261 : i32
    %dma_start3A_263 = arith.constant 0 : i32
    %dma_start3A_264 = tpu.memref_slice %arg4[%add3A_262, %dma_start3A_263] : memref<163842x128xf32, #tpu.memory_space<hbm>> -> memref<128x128xf32, #tpu.memory_space<hbm>>
    %dma_start3A_265 = arith.constant 0 : i32
    %dma_start3A_266 = tpu.memref_slice %arg4[%add3A_262, %dma_start3A_265] : memref<163842x128xf32, #tpu.memory_space<hbm>> -> memref<128x128xf32, #tpu.memory_space<hbm>>
    tpu.enqueue_dma source(%arg7 : memref<128x128xf32, #tpu.memory_space<vmem>>) target(%dma_start3A_266 : memref<128x128xf32, #tpu.memory_space<hbm>>) target_semaphore(%arg17 : memref<!tpu.dma_semaphore, #tpu.memory_space<semaphore_mem>>)
    %dma_wait3A_267 = arith.constant 0 : i32
    %dma_wait3A_268 = arith.constant 0 : i32
    %dma_wait3A_269 = tpu.memref_slice %arg2[%dma_wait3A_267, %dma_wait3A_268] : memref<40962x128xf32, #tpu.memory_space<hbm>> -> memref<128x128xf32, #tpu.memory_space<hbm>>
    %dma_wait3A_270 = arith.constant 0 : i32
    %dma_wait3A_271 = arith.constant 0 : i32
    %dma_wait3A_272 = tpu.memref_slice %arg2[%dma_wait3A_270, %dma_wait3A_271] : memref<40962x128xf32, #tpu.memory_space<hbm>> -> memref<128x128xf32, #tpu.memory_space<hbm>>
    tpu.wait_dma2 semaphore(%arg16 : memref<!tpu.dma_semaphore, #tpu.memory_space<semaphore_mem>>) src(%dma_wait3A_272 : memref<128x128xf32, #tpu.memory_space<hbm>>) dst(%arg8 : memref<128x128xf32, #tpu.memory_space<vmem>>)
    %mul3A_273 = arith.constant 1280 : i32
    %mul3A_274 = arith.muli %add3A, %mul3A_273 : i32
    %add3A_275 = arith.constant 1152 : i32
    %add3A_276 = arith.addi %mul3A_274, %add3A_275 : i32
    %dma_start3A_277 = arith.constant 0 : i32
    %dma_start3A_278 = tpu.memref_slice %arg4[%add3A_276, %dma_start3A_277] : memref<163842x128xf32, #tpu.memory_space<hbm>> -> memref<128x128xf32, #tpu.memory_space<hbm>>
    %dma_start3A_279 = arith.constant 0 : i32
    %dma_start3A_280 = tpu.memref_slice %arg4[%add3A_276, %dma_start3A_279] : memref<163842x128xf32, #tpu.memory_space<hbm>> -> memref<128x128xf32, #tpu.memory_space<hbm>>
    tpu.enqueue_dma source(%arg8 : memref<128x128xf32, #tpu.memory_space<vmem>>) target(%dma_start3A_280 : memref<128x128xf32, #tpu.memory_space<hbm>>) target_semaphore(%arg18 : memref<!tpu.dma_semaphore, #tpu.memory_space<semaphore_mem>>)
    %dma_wait3A_281 = arith.constant 0 : i32
    %dma_wait3A_282 = arith.constant 0 : i32
    %dma_wait3A_283 = tpu.memref_slice %arg4[%dma_wait3A_281, %dma_wait3A_282] : memref<163842x128xf32, #tpu.memory_space<hbm>> -> memref<128x128xf32, #tpu.memory_space<hbm>>
    %dma_wait3A_284 = arith.constant 0 : i32
    %dma_wait3A_285 = arith.constant 0 : i32
    %dma_wait3A_286 = tpu.memref_slice %arg4[%dma_wait3A_284, %dma_wait3A_285] : memref<163842x128xf32, #tpu.memory_space<hbm>> -> memref<128x128xf32, #tpu.memory_space<hbm>>
    tpu.wait_dma2 semaphore(%arg18 : memref<!tpu.dma_semaphore, #tpu.memory_space<semaphore_mem>>) src(%arg8 : memref<128x128xf32, #tpu.memory_space<vmem>>) dst(%dma_wait3A_286 : memref<128x128xf32, #tpu.memory_space<hbm>>)
    %dma_wait3A_287 = arith.constant 0 : i32
    %dma_wait3A_288 = arith.constant 0 : i32
    %dma_wait3A_289 = tpu.memref_slice %arg4[%dma_wait3A_287, %dma_wait3A_288] : memref<163842x128xf32, #tpu.memory_space<hbm>> -> memref<128x128xf32, #tpu.memory_space<hbm>>
    %dma_wait3A_290 = arith.constant 0 : i32
    %dma_wait3A_291 = arith.constant 0 : i32
    %dma_wait3A_292 = tpu.memref_slice %arg4[%dma_wait3A_290, %dma_wait3A_291] : memref<163842x128xf32, #tpu.memory_space<hbm>> -> memref<128x128xf32, #tpu.memory_space<hbm>>
    tpu.wait_dma2 semaphore(%arg17 : memref<!tpu.dma_semaphore, #tpu.memory_space<semaphore_mem>>) src(%arg7 : memref<128x128xf32, #tpu.memory_space<vmem>>) dst(%dma_wait3A_292 : memref<128x128xf32, #tpu.memory_space<hbm>>)
    %eq3A = arith.constant 31 : i32
    %eq3A_293 = arith.cmpi eq, %add3A, %eq3A : i32
    %convert_element_type3A = arith.extui %eq3A_293 : i1 to i32
    %cond3A = arith.constant 0 : i32
    %cond3A_294 = arith.cmpi ne, %convert_element_type3A, %cond3A : i32
    scf.if %cond3A_294 {
      %dma_start3A_317 = arith.constant 40960 : i32
      %dma_start3A_318 = arith.constant 0 : i32
      %dma_start3A_319 = tpu.memref_slice %arg2[%dma_start3A_317, %dma_start3A_318] : memref<40962x128xf32, #tpu.memory_space<hbm>> -> memref<2x128xf32, #tpu.memory_space<hbm>>
      %dma_start3A_320 = arith.constant 40960 : i32
      %dma_start3A_321 = arith.constant 0 : i32
      %dma_start3A_322 = tpu.memref_slice %arg2[%dma_start3A_320, %dma_start3A_321] : memref<40962x128xf32, #tpu.memory_space<hbm>> -> memref<2x128xf32, #tpu.memory_space<hbm>>
      tpu.enqueue_dma source(%dma_start3A_322 : memref<2x128xf32, #tpu.memory_space<hbm>>) target(%arg9 : memref<2x128xf32, #tpu.memory_space<vmem>>) target_semaphore(%arg19 : memref<!tpu.dma_semaphore, #tpu.memory_space<semaphore_mem>>)
    } else {
    }
    %scan3A = arith.constant 0 : i32
    %scan3A_295 = arith.constant 0 : i32
    %scan3A_296 = arith.constant 15 : i32
    %scan3A_297 = arith.addi %scan3A_295, %scan3A_296 : i32
    %scan3A_298 = arith.constant 1 : i32
    scf.for %scan3A_317 = %scan3A_295 to %scan3A_297 step %scan3A_298  : i32 {
      %mul3A_318 = arith.constant 2 : i32
      %mul3A_319 = arith.muli %mul3A_318, %scan3A_317 : i32
      %add3A_320 = arith.constant 0 : i32
      %add3A_321 = arith.addi %mul3A_319, %add3A_320 : i32
      %dma_wait3A_322 = arith.constant 0 : i32
      %dma_wait3A_323 = arith.constant 0 : i32
      %dma_wait3A_324 = tpu.memref_slice %arg2[%dma_wait3A_322, %dma_wait3A_323] : memref<40962x128xf32, #tpu.memory_space<hbm>> -> memref<256x128xf32, #tpu.memory_space<hbm>>
      %dma_wait3A_325 = arith.constant 0 : i32
      %dma_wait3A_326 = arith.constant 0 : i32
      %dma_wait3A_327 = tpu.memref_slice %arg2[%dma_wait3A_325, %dma_wait3A_326] : memref<40962x128xf32, #tpu.memory_space<hbm>> -> memref<256x128xf32, #tpu.memory_space<hbm>>
      tpu.wait_dma2 semaphore(%arg11 : memref<!tpu.dma_semaphore, #tpu.memory_space<semaphore_mem>>) src(%dma_wait3A_327 : memref<256x128xf32, #tpu.memory_space<hbm>>) dst(%arg5 : memref<256x128xf32, #tpu.memory_space<vmem>>)
      %ge3A = arith.constant 2 : i32
      %ge3A_328 = arith.cmpi sge, %add3A_321, %ge3A : i32
      %convert_element_type3A_329 = arith.extui %ge3A_328 : i1 to i32
      %cond3A_330 = arith.constant 0 : i32
      %cond3A_331 = arith.cmpi ne, %convert_element_type3A_329, %cond3A_330 : i32
      scf.if %cond3A_331 {
        %dma_wait3A_383 = arith.constant 0 : i32
        %dma_wait3A_384 = arith.constant 0 : i32
        %dma_wait3A_385 = tpu.memref_slice %arg4[%dma_wait3A_383, %dma_wait3A_384] : memref<163842x128xf32, #tpu.memory_space<hbm>> -> memref<128x128xf32, #tpu.memory_space<hbm>>
        %dma_wait3A_386 = arith.constant 0 : i32
        %dma_wait3A_387 = arith.constant 0 : i32
        %dma_wait3A_388 = tpu.memref_slice %arg4[%dma_wait3A_386, %dma_wait3A_387] : memref<163842x128xf32, #tpu.memory_space<hbm>> -> memref<128x128xf32, #tpu.memory_space<hbm>>
        tpu.wait_dma2 semaphore(%arg13 : memref<!tpu.dma_semaphore, #tpu.memory_space<semaphore_mem>>) src(%arg7 : memref<128x128xf32, #tpu.memory_space<vmem>>) dst(%dma_wait3A_388 : memref<128x128xf32, #tpu.memory_space<hbm>>)
      } else {
      }
      %parallel_loop3A = arith.constant 0 : i32
      %parallel_loop3A_332 = arith.constant 128 : i32
      %parallel_loop3A_333 = arith.constant 1 : i32
      scf.for %parallel_loop3A_383 = %parallel_loop3A to %parallel_loop3A_332 step %parallel_loop3A_333  : i32 {
        %parallel_loop3A_384 = arith.index_cast %parallel_loop3A_383 : i32 to index
        %parallel_loop3A_385 = arith.constant 0 : index
        %parallel_loop3A_386 = tpu.vector_load %arg5[%parallel_loop3A_384, %parallel_loop3A_385] {strides = array<i32>} : memref<256x128xf32, #tpu.memory_space<vmem>>, vector<1x16xf32>,
        %parallel_loop3A_387 = vector.shape_cast %parallel_loop3A_386 : vector<1x16xf32> to vector<16xf32>
        %parallel_loop3A_388 = arith.constant 128 : i32
        %parallel_loop3A_389 = arith.addi %parallel_loop3A_388, %parallel_loop3A_383 : i32
        %parallel_loop3A_390 = arith.index_cast %parallel_loop3A_389 : i32 to index
        %parallel_loop3A_391 = arith.constant 0 : index
        %parallel_loop3A_392 = tpu.vector_load %arg5[%parallel_loop3A_390, %parallel_loop3A_391] {strides = array<i32>} : memref<256x128xf32, #tpu.memory_space<vmem>>, vector<1x16xf32>,
        %parallel_loop3A_393 = vector.shape_cast %parallel_loop3A_392 : vector<1x16xf32> to vector<16xf32>
        %parallel_loop3A_394 = arith.addf %parallel_loop3A_387, %parallel_loop3A_393 : vector<16xf32>
        %parallel_loop3A_395 = arith.constant 5.000000e-01 : f32
        %parallel_loop3A_396 = vector.broadcast %parallel_loop3A_395 : f32 to vector<16xf32>
        %parallel_loop3A_397 = arith.mulf %parallel_loop3A_394, %parallel_loop3A_396 : vector<16xf32>
        %parallel_loop3A_398 = arith.index_cast %parallel_loop3A_383 : i32 to index
        %parallel_loop3A_399 = arith.constant 0 : index
        %parallel_loop3A_400 = tpu.vector_load %arg7[%parallel_loop3A_398, %parallel_loop3A_399] {strides = array<i32>} : memref<128x128xf32, #tpu.memory_space<vmem>>, vector<1x16xf32>,
        %parallel_loop3A_401 = vector.shape_cast %parallel_loop3A_400 : vector<1x16xf32> to vector<16xf32>
        %parallel_loop3A_402 = vector.shape_cast %parallel_loop3A_397 : vector<16xf32> to vector<1x16xf32>
        tpu.vector_store %arg7[%parallel_loop3A_398, %parallel_loop3A_399], %parallel_loop3A_402 {strides = array<i32>} : memref<128x128xf32, #tpu.memory_space<vmem>>, vector<1x16xf32>,
        %parallel_loop3A_403 = arith.index_cast %parallel_loop3A_383 : i32 to index
        %parallel_loop3A_404 = arith.constant 16 : index
        %parallel_loop3A_405 = tpu.vector_load %arg5[%parallel_loop3A_403, %parallel_loop3A_404] {strides = array<i32>} : memref<256x128xf32, #tpu.memory_space<vmem>>, vector<1x16xf32>,
        %parallel_loop3A_406 = vector.shape_cast %parallel_loop3A_405 : vector<1x16xf32> to vector<16xf32>
        %parallel_loop3A_407 = arith.constant 128 : i32
        %parallel_loop3A_408 = arith.addi %parallel_loop3A_407, %parallel_loop3A_383 : i32
        %parallel_loop3A_409 = arith.index_cast %parallel_loop3A_408 : i32 to index
        %parallel_loop3A_410 = arith.constant 16 : index
        %parallel_loop3A_411 = tpu.vector_load %arg5[%parallel_loop3A_409, %parallel_loop3A_410] {strides = array<i32>} : memref<256x128xf32, #tpu.memory_space<vmem>>, vector<1x16xf32>,
        %parallel_loop3A_412 = vector.shape_cast %parallel_loop3A_411 : vector<1x16xf32> to vector<16xf32>
        %parallel_loop3A_413 = arith.addf %parallel_loop3A_406, %parallel_loop3A_412 : vector<16xf32>
        %parallel_loop3A_414 = arith.constant 5.000000e-01 : f32
        %parallel_loop3A_415 = vector.broadcast %parallel_loop3A_414 : f32 to vector<16xf32>
        %parallel_loop3A_416 = arith.mulf %parallel_loop3A_413, %parallel_loop3A_415 : vector<16xf32>
        %parallel_loop3A_417 = arith.index_cast %parallel_loop3A_383 : i32 to index
        %parallel_loop3A_418 = arith.constant 16 : index
        %parallel_loop3A_419 = tpu.vector_load %arg7[%parallel_loop3A_417, %parallel_loop3A_418] {strides = array<i32>} : memref<128x128xf32, #tpu.memory_space<vmem>>, vector<1x16xf32>,
        %parallel_loop3A_420 = vector.shape_cast %parallel_loop3A_419 : vector<1x16xf32> to vector<16xf32>
        %parallel_loop3A_421 = vector.shape_cast %parallel_loop3A_416 : vector<16xf32> to vector<1x16xf32>
        tpu.vector_store %arg7[%parallel_loop3A_417, %parallel_loop3A_418], %parallel_loop3A_421 {strides = array<i32>} : memref<128x128xf32, #tpu.memory_space<vmem>>, vector<1x16xf32>,
        %parallel_loop3A_422 = arith.index_cast %parallel_loop3A_383 : i32 to index
        %parallel_loop3A_423 = arith.constant 32 : index
        %parallel_loop3A_424 = tpu.vector_load %arg5[%parallel_loop3A_422, %parallel_loop3A_423] {strides = array<i32>} : memref<256x128xf32, #tpu.memory_space<vmem>>, vector<1x16xf32>,
        %parallel_loop3A_425 = vector.shape_cast %parallel_loop3A_424 : vector<1x16xf32> to vector<16xf32>
        %parallel_loop3A_426 = arith.constant 128 : i32
        %parallel_loop3A_427 = arith.addi %parallel_loop3A_426, %parallel_loop3A_383 : i32
        %parallel_loop3A_428 = arith.index_cast %parallel_loop3A_427 : i32 to index
        %parallel_loop3A_429 = arith.constant 32 : index
        %parallel_loop3A_430 = tpu.vector_load %arg5[%parallel_loop3A_428, %parallel_loop3A_429] {strides = array<i32>} : memref<256x128xf32, #tpu.memory_space<vmem>>, vector<1x16xf32>,
        %parallel_loop3A_431 = vector.shape_cast %parallel_loop3A_430 : vector<1x16xf32> to vector<16xf32>
        %parallel_loop3A_432 = arith.addf %parallel_loop3A_425, %parallel_loop3A_431 : vector<16xf32>
        %parallel_loop3A_433 = arith.constant 5.000000e-01 : f32
        %parallel_loop3A_434 = vector.broadcast %parallel_loop3A_433 : f32 to vector<16xf32>
        %parallel_loop3A_435 = arith.mulf %parallel_loop3A_432, %parallel_loop3A_434 : vector<16xf32>
        %parallel_loop3A_436 = arith.index_cast %parallel_loop3A_383 : i32 to index
        %parallel_loop3A_437 = arith.constant 32 : index
        %parallel_loop3A_438 = tpu.vector_load %arg7[%parallel_loop3A_436, %parallel_loop3A_437] {strides = array<i32>} : memref<128x128xf32, #tpu.memory_space<vmem>>, vector<1x16xf32>,
        %parallel_loop3A_439 = vector.shape_cast %parallel_loop3A_438 : vector<1x16xf32> to vector<16xf32>
        %parallel_loop3A_440 = vector.shape_cast %parallel_loop3A_435 : vector<16xf32> to vector<1x16xf32>
        tpu.vector_store %arg7[%parallel_loop3A_436, %parallel_loop3A_437], %parallel_loop3A_440 {strides = array<i32>} : memref<128x128xf32, #tpu.memory_space<vmem>>, vector<1x16xf32>,
        %parallel_loop3A_441 = arith.index_cast %parallel_loop3A_383 : i32 to index
        %parallel_loop3A_442 = arith.constant 48 : index
        %parallel_loop3A_443 = tpu.vector_load %arg5[%parallel_loop3A_441, %parallel_loop3A_442] {strides = array<i32>} : memref<256x128xf32, #tpu.memory_space<vmem>>, vector<1x16xf32>,
        %parallel_loop3A_444 = vector.shape_cast %parallel_loop3A_443 : vector<1x16xf32> to vector<16xf32>
        %parallel_loop3A_445 = arith.constant 128 : i32
        %parallel_loop3A_446 = arith.addi %parallel_loop3A_445, %parallel_loop3A_383 : i32
        %parallel_loop3A_447 = arith.index_cast %parallel_loop3A_446 : i32 to index
        %parallel_loop3A_448 = arith.constant 48 : index
        %parallel_loop3A_449 = tpu.vector_load %arg5[%parallel_loop3A_447, %parallel_loop3A_448] {strides = array<i32>} : memref<256x128xf32, #tpu.memory_space<vmem>>, vector<1x16xf32>,
        %parallel_loop3A_450 = vector.shape_cast %parallel_loop3A_449 : vector<1x16xf32> to vector<16xf32>
        %parallel_loop3A_451 = arith.addf %parallel_loop3A_444, %parallel_loop3A_450 : vector<16xf32>
        %parallel_loop3A_452 = arith.constant 5.000000e-01 : f32
        %parallel_loop3A_453 = vector.broadcast %parallel_loop3A_452 : f32 to vector<16xf32>
        %parallel_loop3A_454 = arith.mulf %parallel_loop3A_451, %parallel_loop3A_453 : vector<16xf32>
        %parallel_loop3A_455 = arith.index_cast %parallel_loop3A_383 : i32 to index
        %parallel_loop3A_456 = arith.constant 48 : index
        %parallel_loop3A_457 = tpu.vector_load %arg7[%parallel_loop3A_455, %parallel_loop3A_456] {strides = array<i32>} : memref<128x128xf32, #tpu.memory_space<vmem>>, vector<1x16xf32>,
        %parallel_loop3A_458 = vector.shape_cast %parallel_loop3A_457 : vector<1x16xf32> to vector<16xf32>
        %parallel_loop3A_459 = vector.shape_cast %parallel_loop3A_454 : vector<16xf32> to vector<1x16xf32>
        tpu.vector_store %arg7[%parallel_loop3A_455, %parallel_loop3A_456], %parallel_loop3A_459 {strides = array<i32>} : memref<128x128xf32, #tpu.memory_space<vmem>>, vector<1x16xf32>,
        %parallel_loop3A_460 = arith.index_cast %parallel_loop3A_383 : i32 to index
        %parallel_loop3A_461 = arith.constant 64 : index
        %parallel_loop3A_462 = tpu.vector_load %arg5[%parallel_loop3A_460, %parallel_loop3A_461] {strides = array<i32>} : memref<256x128xf32, #tpu.memory_space<vmem>>, vector<1x16xf32>,
        %parallel_loop3A_463 = vector.shape_cast %parallel_loop3A_462 : vector<1x16xf32> to vector<16xf32>
        %parallel_loop3A_464 = arith.constant 128 : i32
        %parallel_loop3A_465 = arith.addi %parallel_loop3A_464, %parallel_loop3A_383 : i32
        %parallel_loop3A_466 = arith.index_cast %parallel_loop3A_465 : i32 to index
        %parallel_loop3A_467 = arith.constant 64 : index
        %parallel_loop3A_468 = tpu.vector_load %arg5[%parallel_loop3A_466, %parallel_loop3A_467] {strides = array<i32>} : memref<256x128xf32, #tpu.memory_space<vmem>>, vector<1x16xf32>,
        %parallel_loop3A_469 = vector.shape_cast %parallel_loop3A_468 : vector<1x16xf32> to vector<16xf32>
        %parallel_loop3A_470 = arith.addf %parallel_loop3A_463, %parallel_loop3A_469 : vector<16xf32>
        %parallel_loop3A_471 = arith.constant 5.000000e-01 : f32
        %parallel_loop3A_472 = vector.broadcast %parallel_loop3A_471 : f32 to vector<16xf32>
        %parallel_loop3A_473 = arith.mulf %parallel_loop3A_470, %parallel_loop3A_472 : vector<16xf32>
        %parallel_loop3A_474 = arith.index_cast %parallel_loop3A_383 : i32 to index
        %parallel_loop3A_475 = arith.constant 64 : index
        %parallel_loop3A_476 = tpu.vector_load %arg7[%parallel_loop3A_474, %parallel_loop3A_475] {strides = array<i32>} : memref<128x128xf32, #tpu.memory_space<vmem>>, vector<1x16xf32>,
        %parallel_loop3A_477 = vector.shape_cast %parallel_loop3A_476 : vector<1x16xf32> to vector<16xf32>
        %parallel_loop3A_478 = vector.shape_cast %parallel_loop3A_473 : vector<16xf32> to vector<1x16xf32>
        tpu.vector_store %arg7[%parallel_loop3A_474, %parallel_loop3A_475], %parallel_loop3A_478 {strides = array<i32>} : memref<128x128xf32, #tpu.memory_space<vmem>>, vector<1x16xf32>,
        %parallel_loop3A_479 = arith.index_cast %parallel_loop3A_383 : i32 to index
        %parallel_loop3A_480 = arith.constant 80 : index
        %parallel_loop3A_481 = tpu.vector_load %arg5[%parallel_loop3A_479, %parallel_loop3A_480] {strides = array<i32>} : memref<256x128xf32, #tpu.memory_space<vmem>>, vector<1x16xf32>,
        %parallel_loop3A_482 = vector.shape_cast %parallel_loop3A_481 : vector<1x16xf32> to vector<16xf32>
        %parallel_loop3A_483 = arith.constant 128 : i32
        %parallel_loop3A_484 = arith.addi %parallel_loop3A_483, %parallel_loop3A_383 : i32
        %parallel_loop3A_485 = arith.index_cast %parallel_loop3A_484 : i32 to index
        %parallel_loop3A_486 = arith.constant 80 : index
        %parallel_loop3A_487 = tpu.vector_load %arg5[%parallel_loop3A_485, %parallel_loop3A_486] {strides = array<i32>} : memref<256x128xf32, #tpu.memory_space<vmem>>, vector<1x16xf32>,
        %parallel_loop3A_488 = vector.shape_cast %parallel_loop3A_487 : vector<1x16xf32> to vector<16xf32>
        %parallel_loop3A_489 = arith.addf %parallel_loop3A_482, %parallel_loop3A_488 : vector<16xf32>
        %parallel_loop3A_490 = arith.constant 5.000000e-01 : f32
        %parallel_loop3A_491 = vector.broadcast %parallel_loop3A_490 : f32 to vector<16xf32>
        %parallel_loop3A_492 = arith.mulf %parallel_loop3A_489, %parallel_loop3A_491 : vector<16xf32>
        %parallel_loop3A_493 = arith.index_cast %parallel_loop3A_383 : i32 to index
        %parallel_loop3A_494 = arith.constant 80 : index
        %parallel_loop3A_495 = tpu.vector_load %arg7[%parallel_loop3A_493, %parallel_loop3A_494] {strides = array<i32>} : memref<128x128xf32, #tpu.memory_space<vmem>>, vector<1x16xf32>,
        %parallel_loop3A_496 = vector.shape_cast %parallel_loop3A_495 : vector<1x16xf32> to vector<16xf32>
        %parallel_loop3A_497 = vector.shape_cast %parallel_loop3A_492 : vector<16xf32> to vector<1x16xf32>
        tpu.vector_store %arg7[%parallel_loop3A_493, %parallel_loop3A_494], %parallel_loop3A_497 {strides = array<i32>} : memref<128x128xf32, #tpu.memory_space<vmem>>, vector<1x16xf32>,
        %parallel_loop3A_498 = arith.index_cast %parallel_loop3A_383 : i32 to index
        %parallel_loop3A_499 = arith.constant 96 : index
        %parallel_loop3A_500 = tpu.vector_load %arg5[%parallel_loop3A_498, %parallel_loop3A_499] {strides = array<i32>} : memref<256x128xf32, #tpu.memory_space<vmem>>, vector<1x16xf32>,
        %parallel_loop3A_501 = vector.shape_cast %parallel_loop3A_500 : vector<1x16xf32> to vector<16xf32>
        %parallel_loop3A_502 = arith.constant 128 : i32
        %parallel_loop3A_503 = arith.addi %parallel_loop3A_502, %parallel_loop3A_383 : i32
        %parallel_loop3A_504 = arith.index_cast %parallel_loop3A_503 : i32 to index
        %parallel_loop3A_505 = arith.constant 96 : index
        %parallel_loop3A_506 = tpu.vector_load %arg5[%parallel_loop3A_504, %parallel_loop3A_505] {strides = array<i32>} : memref<256x128xf32, #tpu.memory_space<vmem>>, vector<1x16xf32>,
        %parallel_loop3A_507 = vector.shape_cast %parallel_loop3A_506 : vector<1x16xf32> to vector<16xf32>
        %parallel_loop3A_508 = arith.addf %parallel_loop3A_501, %parallel_loop3A_507 : vector<16xf32>
        %parallel_loop3A_509 = arith.constant 5.000000e-01 : f32
        %parallel_loop3A_510 = vector.broadcast %parallel_loop3A_509 : f32 to vector<16xf32>
        %parallel_loop3A_511 = arith.mulf %parallel_loop3A_508, %parallel_loop3A_510 : vector<16xf32>
        %parallel_loop3A_512 = arith.index_cast %parallel_loop3A_383 : i32 to index
        %parallel_loop3A_513 = arith.constant 96 : index
        %parallel_loop3A_514 = tpu.vector_load %arg7[%parallel_loop3A_512, %parallel_loop3A_513] {strides = array<i32>} : memref<128x128xf32, #tpu.memory_space<vmem>>, vector<1x16xf32>,
        %parallel_loop3A_515 = vector.shape_cast %parallel_loop3A_514 : vector<1x16xf32> to vector<16xf32>
        %parallel_loop3A_516 = vector.shape_cast %parallel_loop3A_511 : vector<16xf32> to vector<1x16xf32>
        tpu.vector_store %arg7[%parallel_loop3A_512, %parallel_loop3A_513], %parallel_loop3A_516 {strides = array<i32>} : memref<128x128xf32, #tpu.memory_space<vmem>>, vector<1x16xf32>,
        %parallel_loop3A_517 = arith.index_cast %parallel_loop3A_383 : i32 to index
        %parallel_loop3A_518 = arith.constant 112 : index
        %parallel_loop3A_519 = tpu.vector_load %arg5[%parallel_loop3A_517, %parallel_loop3A_518] {strides = array<i32>} : memref<256x128xf32, #tpu.memory_space<vmem>>, vector<1x16xf32>,
        %parallel_loop3A_520 = vector.shape_cast %parallel_loop3A_519 : vector<1x16xf32> to vector<16xf32>
        %parallel_loop3A_521 = arith.constant 128 : i32
        %parallel_loop3A_522 = arith.addi %parallel_loop3A_521, %parallel_loop3A_383 : i32
        %parallel_loop3A_523 = arith.index_cast %parallel_loop3A_522 : i32 to index
        %parallel_loop3A_524 = arith.constant 112 : index
        %parallel_loop3A_525 = tpu.vector_load %arg5[%parallel_loop3A_523, %parallel_loop3A_524] {strides = array<i32>} : memref<256x128xf32, #tpu.memory_space<vmem>>, vector<1x16xf32>,
        %parallel_loop3A_526 = vector.shape_cast %parallel_loop3A_525 : vector<1x16xf32> to vector<16xf32>
        %parallel_loop3A_527 = arith.addf %parallel_loop3A_520, %parallel_loop3A_526 : vector<16xf32>
        %parallel_loop3A_528 = arith.constant 5.000000e-01 : f32
        %parallel_loop3A_529 = vector.broadcast %parallel_loop3A_528 : f32 to vector<16xf32>
        %parallel_loop3A_530 = arith.mulf %parallel_loop3A_527, %parallel_loop3A_529 : vector<16xf32>
        %parallel_loop3A_531 = arith.index_cast %parallel_loop3A_383 : i32 to index
        %parallel_loop3A_532 = arith.constant 112 : index
        %parallel_loop3A_533 = tpu.vector_load %arg7[%parallel_loop3A_531, %parallel_loop3A_532] {strides = array<i32>} : memref<128x128xf32, #tpu.memory_space<vmem>>, vector<1x16xf32>,
        %parallel_loop3A_534 = vector.shape_cast %parallel_loop3A_533 : vector<1x16xf32> to vector<16xf32>
        %parallel_loop3A_535 = vector.shape_cast %parallel_loop3A_530 : vector<16xf32> to vector<1x16xf32>
        tpu.vector_store %arg7[%parallel_loop3A_531, %parallel_loop3A_532], %parallel_loop3A_535 {strides = array<i32>} : memref<128x128xf32, #tpu.memory_space<vmem>>, vector<1x16xf32>,
      } {sc.loop_unroll_factor = 4 : i64, sc.parallel_access}
      %mul3A_334 = arith.constant 3840 : i32
      %mul3A_335 = arith.muli %add3A, %mul3A_334 : i32
      %add3A_336 = arith.constant 40962 : i32
      %add3A_337 = arith.addi %add3A_336, %mul3A_335 : i32
      %mul3A_338 = arith.constant 128 : i32
      %mul3A_339 = arith.muli %add3A_321, %mul3A_338 : i32
      %add3A_340 = arith.addi %add3A_337, %mul3A_339 : i32
      %dma_start3A_341 = arith.constant 0 : i32
      %dma_start3A_342 = tpu.memref_slice %arg4[%add3A_340, %dma_start3A_341] : memref<163842x128xf32, #tpu.memory_space<hbm>> -> memref<128x128xf32, #tpu.memory_space<hbm>>
      %dma_start3A_343 = arith.constant 0 : i32
      %dma_start3A_344 = tpu.memref_slice %arg4[%add3A_340, %dma_start3A_343] : memref<163842x128xf32, #tpu.memory_space<hbm>> -> memref<128x128xf32, #tpu.memory_space<hbm>>
      tpu.enqueue_dma source(%arg7 : memref<128x128xf32, #tpu.memory_space<vmem>>) target(%dma_start3A_344 : memref<128x128xf32, #tpu.memory_space<hbm>>) target_semaphore(%arg13 : memref<!tpu.dma_semaphore, #tpu.memory_space<semaphore_mem>>)
      %lt3A = arith.constant 14 : i32
      %lt3A_345 = arith.cmpi slt, %scan3A_317, %lt3A : i32
      %convert_element_type3A_346 = arith.extui %lt3A_345 : i1 to i32
      %cond3A_347 = arith.constant 0 : i32
      %cond3A_348 = arith.cmpi ne, %convert_element_type3A_346, %cond3A_347 : i32
      scf.if %cond3A_348 {
        %add3A_383 = arith.constant 2 : i32
        %add3A_384 = arith.addi %add3A_321, %add3A_383 : i32
        %mul3A_385 = arith.constant 2 : i32
        %mul3A_386 = arith.muli %add3A_384, %mul3A_385 : i32
        %mul3A_387 = arith.constant 128 : i32
        %mul3A_388 = arith.muli %mul3A_386, %mul3A_387 : i32
        %dma_start3A_389 = tpu.memref_slice %arg10[%mul3A_388] : memref<7680xi32, #tpu.memory_space<vmem>> -> memref<256xi32, #tpu.memory_space<vmem>>
        %dma_start3A_390 = arith.constant 0 : i32
        %dma_start3A_391 = arith.constant 0 : i32
        %dma_start3A_392 = tpu.memref_slice %arg2[%dma_start3A_390, %dma_start3A_391] : memref<40962x128xf32, #tpu.memory_space<hbm>> -> memref<40962x128xf32, #tpu.memory_space<hbm>>
        tpu.enqueue_indirect_dma source(%dma_start3A_392 : memref<40962x128xf32, #tpu.memory_space<hbm>>) target(%arg5 : memref<256x128xf32, #tpu.memory_space<vmem>>) offsets(%dma_start3A_389 : memref<256xi32, #tpu.memory_space<vmem>>) semaphore(%arg11 : memref<!tpu.dma_semaphore, #tpu.memory_space<semaphore_mem>>)
      } else {
      }
      %mul3A_349 = arith.constant 2 : i32
      %mul3A_350 = arith.muli %mul3A_349, %scan3A_317 : i32
      %add3A_351 = arith.constant 1 : i32
      %add3A_352 = arith.addi %mul3A_350, %add3A_351 : i32
      %dma_wait3A_353 = arith.constant 0 : i32
      %dma_wait3A_354 = arith.constant 0 : i32
      %dma_wait3A_355 = tpu.memref_slice %arg2[%dma_wait3A_353, %dma_wait3A_354] : memref<40962x128xf32, #tpu.memory_space<hbm>> -> memref<256x128xf32, #tpu.memory_space<hbm>>
      %dma_wait3A_356 = arith.constant 0 : i32
      %dma_wait3A_357 = arith.constant 0 : i32
      %dma_wait3A_358 = tpu.memref_slice %arg2[%dma_wait3A_356, %dma_wait3A_357] : memref<40962x128xf32, #tpu.memory_space<hbm>> -> memref<256x128xf32, #tpu.memory_space<hbm>>
      tpu.wait_dma2 semaphore(%arg12 : memref<!tpu.dma_semaphore, #tpu.memory_space<semaphore_mem>>) src(%dma_wait3A_358 : memref<256x128xf32, #tpu.memory_space<hbm>>) dst(%arg6 : memref<256x128xf32, #tpu.memory_space<vmem>>)
      %ge3A_359 = arith.constant 2 : i32
      %ge3A_360 = arith.cmpi sge, %add3A_352, %ge3A_359 : i32
      %convert_element_type3A_361 = arith.extui %ge3A_360 : i1 to i32
      %cond3A_362 = arith.constant 0 : i32
      %cond3A_363 = arith.cmpi ne, %convert_element_type3A_361, %cond3A_362 : i32
      scf.if %cond3A_363 {
        %dma_wait3A_383 = arith.constant 0 : i32
        %dma_wait3A_384 = arith.constant 0 : i32
        %dma_wait3A_385 = tpu.memref_slice %arg4[%dma_wait3A_383, %dma_wait3A_384] : memref<163842x128xf32, #tpu.memory_space<hbm>> -> memref<128x128xf32, #tpu.memory_space<hbm>>
        %dma_wait3A_386 = arith.constant 0 : i32
        %dma_wait3A_387 = arith.constant 0 : i32
        %dma_wait3A_388 = tpu.memref_slice %arg4[%dma_wait3A_386, %dma_wait3A_387] : memref<163842x128xf32, #tpu.memory_space<hbm>> -> memref<128x128xf32, #tpu.memory_space<hbm>>
        tpu.wait_dma2 semaphore(%arg14 : memref<!tpu.dma_semaphore, #tpu.memory_space<semaphore_mem>>) src(%arg8 : memref<128x128xf32, #tpu.memory_space<vmem>>) dst(%dma_wait3A_388 : memref<128x128xf32, #tpu.memory_space<hbm>>)
      } else {
      }
      %parallel_loop3A_364 = arith.constant 0 : i32
      %parallel_loop3A_365 = arith.constant 128 : i32
      %parallel_loop3A_366 = arith.constant 1 : i32
      scf.for %parallel_loop3A_383 = %parallel_loop3A_364 to %parallel_loop3A_365 step %parallel_loop3A_366  : i32 {
        %parallel_loop3A_384 = arith.index_cast %parallel_loop3A_383 : i32 to index
        %parallel_loop3A_385 = arith.constant 0 : index
        %parallel_loop3A_386 = tpu.vector_load %arg6[%parallel_loop3A_384, %parallel_loop3A_385] {strides = array<i32>} : memref<256x128xf32, #tpu.memory_space<vmem>>, vector<1x16xf32>,
        %parallel_loop3A_387 = vector.shape_cast %parallel_loop3A_386 : vector<1x16xf32> to vector<16xf32>
        %parallel_loop3A_388 = arith.constant 128 : i32
        %parallel_loop3A_389 = arith.addi %parallel_loop3A_388, %parallel_loop3A_383 : i32
        %parallel_loop3A_390 = arith.index_cast %parallel_loop3A_389 : i32 to index
        %parallel_loop3A_391 = arith.constant 0 : index
        %parallel_loop3A_392 = tpu.vector_load %arg6[%parallel_loop3A_390, %parallel_loop3A_391] {strides = array<i32>} : memref<256x128xf32, #tpu.memory_space<vmem>>, vector<1x16xf32>,
        %parallel_loop3A_393 = vector.shape_cast %parallel_loop3A_392 : vector<1x16xf32> to vector<16xf32>
        %parallel_loop3A_394 = arith.addf %parallel_loop3A_387, %parallel_loop3A_393 : vector<16xf32>
        %parallel_loop3A_395 = arith.constant 5.000000e-01 : f32
        %parallel_loop3A_396 = vector.broadcast %parallel_loop3A_395 : f32 to vector<16xf32>
        %parallel_loop3A_397 = arith.mulf %parallel_loop3A_394, %parallel_loop3A_396 : vector<16xf32>
        %parallel_loop3A_398 = arith.index_cast %parallel_loop3A_383 : i32 to index
        %parallel_loop3A_399 = arith.constant 0 : index
        %parallel_loop3A_400 = tpu.vector_load %arg8[%parallel_loop3A_398, %parallel_loop3A_399] {strides = array<i32>} : memref<128x128xf32, #tpu.memory_space<vmem>>, vector<1x16xf32>,
        %parallel_loop3A_401 = vector.shape_cast %parallel_loop3A_400 : vector<1x16xf32> to vector<16xf32>
        %parallel_loop3A_402 = vector.shape_cast %parallel_loop3A_397 : vector<16xf32> to vector<1x16xf32>
        tpu.vector_store %arg8[%parallel_loop3A_398, %parallel_loop3A_399], %parallel_loop3A_402 {strides = array<i32>} : memref<128x128xf32, #tpu.memory_space<vmem>>, vector<1x16xf32>,
        %parallel_loop3A_403 = arith.index_cast %parallel_loop3A_383 : i32 to index
        %parallel_loop3A_404 = arith.constant 16 : index
        %parallel_loop3A_405 = tpu.vector_load %arg6[%parallel_loop3A_403, %parallel_loop3A_404] {strides = array<i32>} : memref<256x128xf32, #tpu.memory_space<vmem>>, vector<1x16xf32>,
        %parallel_loop3A_406 = vector.shape_cast %parallel_loop3A_405 : vector<1x16xf32> to vector<16xf32>
        %parallel_loop3A_407 = arith.constant 128 : i32
        %parallel_loop3A_408 = arith.addi %parallel_loop3A_407, %parallel_loop3A_383 : i32
        %parallel_loop3A_409 = arith.index_cast %parallel_loop3A_408 : i32 to index
        %parallel_loop3A_410 = arith.constant 16 : index
        %parallel_loop3A_411 = tpu.vector_load %arg6[%parallel_loop3A_409, %parallel_loop3A_410] {strides = array<i32>} : memref<256x128xf32, #tpu.memory_space<vmem>>, vector<1x16xf32>,
        %parallel_loop3A_412 = vector.shape_cast %parallel_loop3A_411 : vector<1x16xf32> to vector<16xf32>
        %parallel_loop3A_413 = arith.addf %parallel_loop3A_406, %parallel_loop3A_412 : vector<16xf32>
        %parallel_loop3A_414 = arith.constant 5.000000e-01 : f32
        %parallel_loop3A_415 = vector.broadcast %parallel_loop3A_414 : f32 to vector<16xf32>
        %parallel_loop3A_416 = arith.mulf %parallel_loop3A_413, %parallel_loop3A_415 : vector<16xf32>
        %parallel_loop3A_417 = arith.index_cast %parallel_loop3A_383 : i32 to index
        %parallel_loop3A_418 = arith.constant 16 : index
        %parallel_loop3A_419 = tpu.vector_load %arg8[%parallel_loop3A_417, %parallel_loop3A_418] {strides = array<i32>} : memref<128x128xf32, #tpu.memory_space<vmem>>, vector<1x16xf32>,
        %parallel_loop3A_420 = vector.shape_cast %parallel_loop3A_419 : vector<1x16xf32> to vector<16xf32>
        %parallel_loop3A_421 = vector.shape_cast %parallel_loop3A_416 : vector<16xf32> to vector<1x16xf32>
        tpu.vector_store %arg8[%parallel_loop3A_417, %parallel_loop3A_418], %parallel_loop3A_421 {strides = array<i32>} : memref<128x128xf32, #tpu.memory_space<vmem>>, vector<1x16xf32>,
        %parallel_loop3A_422 = arith.index_cast %parallel_loop3A_383 : i32 to index
        %parallel_loop3A_423 = arith.constant 32 : index
        %parallel_loop3A_424 = tpu.vector_load %arg6[%parallel_loop3A_422, %parallel_loop3A_423] {strides = array<i32>} : memref<256x128xf32, #tpu.memory_space<vmem>>, vector<1x16xf32>,
        %parallel_loop3A_425 = vector.shape_cast %parallel_loop3A_424 : vector<1x16xf32> to vector<16xf32>
        %parallel_loop3A_426 = arith.constant 128 : i32
        %parallel_loop3A_427 = arith.addi %parallel_loop3A_426, %parallel_loop3A_383 : i32
        %parallel_loop3A_428 = arith.index_cast %parallel_loop3A_427 : i32 to index
        %parallel_loop3A_429 = arith.constant 32 : index
        %parallel_loop3A_430 = tpu.vector_load %arg6[%parallel_loop3A_428, %parallel_loop3A_429] {strides = array<i32>} : memref<256x128xf32, #tpu.memory_space<vmem>>, vector<1x16xf32>,
        %parallel_loop3A_431 = vector.shape_cast %parallel_loop3A_430 : vector<1x16xf32> to vector<16xf32>
        %parallel_loop3A_432 = arith.addf %parallel_loop3A_425, %parallel_loop3A_431 : vector<16xf32>
        %parallel_loop3A_433 = arith.constant 5.000000e-01 : f32
        %parallel_loop3A_434 = vector.broadcast %parallel_loop3A_433 : f32 to vector<16xf32>
        %parallel_loop3A_435 = arith.mulf %parallel_loop3A_432, %parallel_loop3A_434 : vector<16xf32>
        %parallel_loop3A_436 = arith.index_cast %parallel_loop3A_383 : i32 to index
        %parallel_loop3A_437 = arith.constant 32 : index
        %parallel_loop3A_438 = tpu.vector_load %arg8[%parallel_loop3A_436, %parallel_loop3A_437] {strides = array<i32>} : memref<128x128xf32, #tpu.memory_space<vmem>>, vector<1x16xf32>,
        %parallel_loop3A_439 = vector.shape_cast %parallel_loop3A_438 : vector<1x16xf32> to vector<16xf32>
        %parallel_loop3A_440 = vector.shape_cast %parallel_loop3A_435 : vector<16xf32> to vector<1x16xf32>
        tpu.vector_store %arg8[%parallel_loop3A_436, %parallel_loop3A_437], %parallel_loop3A_440 {strides = array<i32>} : memref<128x128xf32, #tpu.memory_space<vmem>>, vector<1x16xf32>,
        %parallel_loop3A_441 = arith.index_cast %parallel_loop3A_383 : i32 to index
        %parallel_loop3A_442 = arith.constant 48 : index
        %parallel_loop3A_443 = tpu.vector_load %arg6[%parallel_loop3A_441, %parallel_loop3A_442] {strides = array<i32>} : memref<256x128xf32, #tpu.memory_space<vmem>>, vector<1x16xf32>,
        %parallel_loop3A_444 = vector.shape_cast %parallel_loop3A_443 : vector<1x16xf32> to vector<16xf32>
        %parallel_loop3A_445 = arith.constant 128 : i32
        %parallel_loop3A_446 = arith.addi %parallel_loop3A_445, %parallel_loop3A_383 : i32
        %parallel_loop3A_447 = arith.index_cast %parallel_loop3A_446 : i32 to index
        %parallel_loop3A_448 = arith.constant 48 : index
        %parallel_loop3A_449 = tpu.vector_load %arg6[%parallel_loop3A_447, %parallel_loop3A_448] {strides = array<i32>} : memref<256x128xf32, #tpu.memory_space<vmem>>, vector<1x16xf32>,
        %parallel_loop3A_450 = vector.shape_cast %parallel_loop3A_449 : vector<1x16xf32> to vector<16xf32>
        %parallel_loop3A_451 = arith.addf %parallel_loop3A_444, %parallel_loop3A_450 : vector<16xf32>
        %parallel_loop3A_452 = arith.constant 5.000000e-01 : f32
        %parallel_loop3A_453 = vector.broadcast %parallel_loop3A_452 : f32 to vector<16xf32>
        %parallel_loop3A_454 = arith.mulf %parallel_loop3A_451, %parallel_loop3A_453 : vector<16xf32>
        %parallel_loop3A_455 = arith.index_cast %parallel_loop3A_383 : i32 to index
        %parallel_loop3A_456 = arith.constant 48 : index
        %parallel_loop3A_457 = tpu.vector_load %arg8[%parallel_loop3A_455, %parallel_loop3A_456] {strides = array<i32>} : memref<128x128xf32, #tpu.memory_space<vmem>>, vector<1x16xf32>,
        %parallel_loop3A_458 = vector.shape_cast %parallel_loop3A_457 : vector<1x16xf32> to vector<16xf32>
        %parallel_loop3A_459 = vector.shape_cast %parallel_loop3A_454 : vector<16xf32> to vector<1x16xf32>
        tpu.vector_store %arg8[%parallel_loop3A_455, %parallel_loop3A_456], %parallel_loop3A_459 {strides = array<i32>} : memref<128x128xf32, #tpu.memory_space<vmem>>, vector<1x16xf32>,
        %parallel_loop3A_460 = arith.index_cast %parallel_loop3A_383 : i32 to index
        %parallel_loop3A_461 = arith.constant 64 : index
        %parallel_loop3A_462 = tpu.vector_load %arg6[%parallel_loop3A_460, %parallel_loop3A_461] {strides = array<i32>} : memref<256x128xf32, #tpu.memory_space<vmem>>, vector<1x16xf32>,
        %parallel_loop3A_463 = vector.shape_cast %parallel_loop3A_462 : vector<1x16xf32> to vector<16xf32>
        %parallel_loop3A_464 = arith.constant 128 : i32
        %parallel_loop3A_465 = arith.addi %parallel_loop3A_464, %parallel_loop3A_383 : i32
        %parallel_loop3A_466 = arith.index_cast %parallel_loop3A_465 : i32 to index
        %parallel_loop3A_467 = arith.constant 64 : index
        %parallel_loop3A_468 = tpu.vector_load %arg6[%parallel_loop3A_466, %parallel_loop3A_467] {strides = array<i32>} : memref<256x128xf32, #tpu.memory_space<vmem>>, vector<1x16xf32>,
        %parallel_loop3A_469 = vector.shape_cast %parallel_loop3A_468 : vector<1x16xf32> to vector<16xf32>
        %parallel_loop3A_470 = arith.addf %parallel_loop3A_463, %parallel_loop3A_469 : vector<16xf32>
        %parallel_loop3A_471 = arith.constant 5.000000e-01 : f32
        %parallel_loop3A_472 = vector.broadcast %parallel_loop3A_471 : f32 to vector<16xf32>
        %parallel_loop3A_473 = arith.mulf %parallel_loop3A_470, %parallel_loop3A_472 : vector<16xf32>
        %parallel_loop3A_474 = arith.index_cast %parallel_loop3A_383 : i32 to index
        %parallel_loop3A_475 = arith.constant 64 : index
        %parallel_loop3A_476 = tpu.vector_load %arg8[%parallel_loop3A_474, %parallel_loop3A_475] {strides = array<i32>} : memref<128x128xf32, #tpu.memory_space<vmem>>, vector<1x16xf32>,
        %parallel_loop3A_477 = vector.shape_cast %parallel_loop3A_476 : vector<1x16xf32> to vector<16xf32>
        %parallel_loop3A_478 = vector.shape_cast %parallel_loop3A_473 : vector<16xf32> to vector<1x16xf32>
        tpu.vector_store %arg8[%parallel_loop3A_474, %parallel_loop3A_475], %parallel_loop3A_478 {strides = array<i32>} : memref<128x128xf32, #tpu.memory_space<vmem>>, vector<1x16xf32>,
        %parallel_loop3A_479 = arith.index_cast %parallel_loop3A_383 : i32 to index
        %parallel_loop3A_480 = arith.constant 80 : index
        %parallel_loop3A_481 = tpu.vector_load %arg6[%parallel_loop3A_479, %parallel_loop3A_480] {strides = array<i32>} : memref<256x128xf32, #tpu.memory_space<vmem>>, vector<1x16xf32>,
        %parallel_loop3A_482 = vector.shape_cast %parallel_loop3A_481 : vector<1x16xf32> to vector<16xf32>
        %parallel_loop3A_483 = arith.constant 128 : i32
        %parallel_loop3A_484 = arith.addi %parallel_loop3A_483, %parallel_loop3A_383 : i32
        %parallel_loop3A_485 = arith.index_cast %parallel_loop3A_484 : i32 to index
        %parallel_loop3A_486 = arith.constant 80 : index
        %parallel_loop3A_487 = tpu.vector_load %arg6[%parallel_loop3A_485, %parallel_loop3A_486] {strides = array<i32>} : memref<256x128xf32, #tpu.memory_space<vmem>>, vector<1x16xf32>,
        %parallel_loop3A_488 = vector.shape_cast %parallel_loop3A_487 : vector<1x16xf32> to vector<16xf32>
        %parallel_loop3A_489 = arith.addf %parallel_loop3A_482, %parallel_loop3A_488 : vector<16xf32>
        %parallel_loop3A_490 = arith.constant 5.000000e-01 : f32
        %parallel_loop3A_491 = vector.broadcast %parallel_loop3A_490 : f32 to vector<16xf32>
        %parallel_loop3A_492 = arith.mulf %parallel_loop3A_489, %parallel_loop3A_491 : vector<16xf32>
        %parallel_loop3A_493 = arith.index_cast %parallel_loop3A_383 : i32 to index
        %parallel_loop3A_494 = arith.constant 80 : index
        %parallel_loop3A_495 = tpu.vector_load %arg8[%parallel_loop3A_493, %parallel_loop3A_494] {strides = array<i32>} : memref<128x128xf32, #tpu.memory_space<vmem>>, vector<1x16xf32>,
        %parallel_loop3A_496 = vector.shape_cast %parallel_loop3A_495 : vector<1x16xf32> to vector<16xf32>
        %parallel_loop3A_497 = vector.shape_cast %parallel_loop3A_492 : vector<16xf32> to vector<1x16xf32>
        tpu.vector_store %arg8[%parallel_loop3A_493, %parallel_loop3A_494], %parallel_loop3A_497 {strides = array<i32>} : memref<128x128xf32, #tpu.memory_space<vmem>>, vector<1x16xf32>,
        %parallel_loop3A_498 = arith.index_cast %parallel_loop3A_383 : i32 to index
        %parallel_loop3A_499 = arith.constant 96 : index
        %parallel_loop3A_500 = tpu.vector_load %arg6[%parallel_loop3A_498, %parallel_loop3A_499] {strides = array<i32>} : memref<256x128xf32, #tpu.memory_space<vmem>>, vector<1x16xf32>,
        %parallel_loop3A_501 = vector.shape_cast %parallel_loop3A_500 : vector<1x16xf32> to vector<16xf32>
        %parallel_loop3A_502 = arith.constant 128 : i32
        %parallel_loop3A_503 = arith.addi %parallel_loop3A_502, %parallel_loop3A_383 : i32
        %parallel_loop3A_504 = arith.index_cast %parallel_loop3A_503 : i32 to index
        %parallel_loop3A_505 = arith.constant 96 : index
        %parallel_loop3A_506 = tpu.vector_load %arg6[%parallel_loop3A_504, %parallel_loop3A_505] {strides = array<i32>} : memref<256x128xf32, #tpu.memory_space<vmem>>, vector<1x16xf32>,
        %parallel_loop3A_507 = vector.shape_cast %parallel_loop3A_506 : vector<1x16xf32> to vector<16xf32>
        %parallel_loop3A_508 = arith.addf %parallel_loop3A_501, %parallel_loop3A_507 : vector<16xf32>
        %parallel_loop3A_509 = arith.constant 5.000000e-01 : f32
        %parallel_loop3A_510 = vector.broadcast %parallel_loop3A_509 : f32 to vector<16xf32>
        %parallel_loop3A_511 = arith.mulf %parallel_loop3A_508, %parallel_loop3A_510 : vector<16xf32>
        %parallel_loop3A_512 = arith.index_cast %parallel_loop3A_383 : i32 to index
        %parallel_loop3A_513 = arith.constant 96 : index
        %parallel_loop3A_514 = tpu.vector_load %arg8[%parallel_loop3A_512, %parallel_loop3A_513] {strides = array<i32>} : memref<128x128xf32, #tpu.memory_space<vmem>>, vector<1x16xf32>,
        %parallel_loop3A_515 = vector.shape_cast %parallel_loop3A_514 : vector<1x16xf32> to vector<16xf32>
        %parallel_loop3A_516 = vector.shape_cast %parallel_loop3A_511 : vector<16xf32> to vector<1x16xf32>
        tpu.vector_store %arg8[%parallel_loop3A_512, %parallel_loop3A_513], %parallel_loop3A_516 {strides = array<i32>} : memref<128x128xf32, #tpu.memory_space<vmem>>, vector<1x16xf32>,
        %parallel_loop3A_517 = arith.index_cast %parallel_loop3A_383 : i32 to index
        %parallel_loop3A_518 = arith.constant 112 : index
        %parallel_loop3A_519 = tpu.vector_load %arg6[%parallel_loop3A_517, %parallel_loop3A_518] {strides = array<i32>} : memref<256x128xf32, #tpu.memory_space<vmem>>, vector<1x16xf32>,
        %parallel_loop3A_520 = vector.shape_cast %parallel_loop3A_519 : vector<1x16xf32> to vector<16xf32>
        %parallel_loop3A_521 = arith.constant 128 : i32
        %parallel_loop3A_522 = arith.addi %parallel_loop3A_521, %parallel_loop3A_383 : i32
        %parallel_loop3A_523 = arith.index_cast %parallel_loop3A_522 : i32 to index
        %parallel_loop3A_524 = arith.constant 112 : index
        %parallel_loop3A_525 = tpu.vector_load %arg6[%parallel_loop3A_523, %parallel_loop3A_524] {strides = array<i32>} : memref<256x128xf32, #tpu.memory_space<vmem>>, vector<1x16xf32>,
        %parallel_loop3A_526 = vector.shape_cast %parallel_loop3A_525 : vector<1x16xf32> to vector<16xf32>
        %parallel_loop3A_527 = arith.addf %parallel_loop3A_520, %parallel_loop3A_526 : vector<16xf32>
        %parallel_loop3A_528 = arith.constant 5.000000e-01 : f32
        %parallel_loop3A_529 = vector.broadcast %parallel_loop3A_528 : f32 to vector<16xf32>
        %parallel_loop3A_530 = arith.mulf %parallel_loop3A_527, %parallel_loop3A_529 : vector<16xf32>
        %parallel_loop3A_531 = arith.index_cast %parallel_loop3A_383 : i32 to index
        %parallel_loop3A_532 = arith.constant 112 : index
        %parallel_loop3A_533 = tpu.vector_load %arg8[%parallel_loop3A_531, %parallel_loop3A_532] {strides = array<i32>} : memref<128x128xf32, #tpu.memory_space<vmem>>, vector<1x16xf32>,
        %parallel_loop3A_534 = vector.shape_cast %parallel_loop3A_533 : vector<1x16xf32> to vector<16xf32>
        %parallel_loop3A_535 = vector.shape_cast %parallel_loop3A_530 : vector<16xf32> to vector<1x16xf32>
        tpu.vector_store %arg8[%parallel_loop3A_531, %parallel_loop3A_532], %parallel_loop3A_535 {strides = array<i32>} : memref<128x128xf32, #tpu.memory_space<vmem>>, vector<1x16xf32>,
      } {sc.loop_unroll_factor = 4 : i64, sc.parallel_access}
      %mul3A_367 = arith.constant 3840 : i32
      %mul3A_368 = arith.muli %add3A, %mul3A_367 : i32
      %add3A_369 = arith.constant 40962 : i32
      %add3A_370 = arith.addi %add3A_369, %mul3A_368 : i32
      %mul3A_371 = arith.constant 128 : i32
      %mul3A_372 = arith.muli %add3A_352, %mul3A_371 : i32
      %add3A_373 = arith.addi %add3A_370, %mul3A_372 : i32
      %dma_start3A_374 = arith.constant 0 : i32
      %dma_start3A_375 = tpu.memref_slice %arg4[%add3A_373, %dma_start3A_374] : memref<163842x128xf32, #tpu.memory_space<hbm>> -> memref<128x128xf32, #tpu.memory_space<hbm>>
      %dma_start3A_376 = arith.constant 0 : i32
      %dma_start3A_377 = tpu.memref_slice %arg4[%add3A_373, %dma_start3A_376] : memref<163842x128xf32, #tpu.memory_space<hbm>> -> memref<128x128xf32, #tpu.memory_space<hbm>>
      tpu.enqueue_dma source(%arg8 : memref<128x128xf32, #tpu.memory_space<vmem>>) target(%dma_start3A_377 : memref<128x128xf32, #tpu.memory_space<hbm>>) target_semaphore(%arg14 : memref<!tpu.dma_semaphore, #tpu.memory_space<semaphore_mem>>)
      %lt3A_378 = arith.constant 14 : i32
      %lt3A_379 = arith.cmpi slt, %scan3A_317, %lt3A_378 : i32
      %convert_element_type3A_380 = arith.extui %lt3A_379 : i1 to i32
      %cond3A_381 = arith.constant 0 : i32
      %cond3A_382 = arith.cmpi ne, %convert_element_type3A_380, %cond3A_381 : i32
      scf.if %cond3A_382 {
        %add3A_383 = arith.constant 2 : i32
        %add3A_384 = arith.addi %add3A_352, %add3A_383 : i32
        %mul3A_385 = arith.constant 2 : i32
        %mul3A_386 = arith.muli %add3A_384, %mul3A_385 : i32
        %mul3A_387 = arith.constant 128 : i32
        %mul3A_388 = arith.muli %mul3A_386, %mul3A_387 : i32
        %dma_start3A_389 = tpu.memref_slice %arg10[%mul3A_388] : memref<7680xi32, #tpu.memory_space<vmem>> -> memref<256xi32, #tpu.memory_space<vmem>>
        %dma_start3A_390 = arith.constant 0 : i32
        %dma_start3A_391 = arith.constant 0 : i32
        %dma_start3A_392 = tpu.memref_slice %arg2[%dma_start3A_390, %dma_start3A_391] : memref<40962x128xf32, #tpu.memory_space<hbm>> -> memref<40962x128xf32, #tpu.memory_space<hbm>>
        tpu.enqueue_indirect_dma source(%dma_start3A_392 : memref<40962x128xf32, #tpu.memory_space<hbm>>) target(%arg6 : memref<256x128xf32, #tpu.memory_space<vmem>>) offsets(%dma_start3A_389 : memref<256xi32, #tpu.memory_space<vmem>>) semaphore(%arg12 : memref<!tpu.dma_semaphore, #tpu.memory_space<semaphore_mem>>)
      } else {
      }
    }
    %scan3A_299 = arith.constant 15 : i32
    %dma_wait3A_300 = arith.constant 0 : i32
    %dma_wait3A_301 = arith.constant 0 : i32
    %dma_wait3A_302 = tpu.memref_slice %arg4[%dma_wait3A_300, %dma_wait3A_301] : memref<163842x128xf32, #tpu.memory_space<hbm>> -> memref<128x128xf32, #tpu.memory_space<hbm>>
    %dma_wait3A_303 = arith.constant 0 : i32
    %dma_wait3A_304 = arith.constant 0 : i32
    %dma_wait3A_305 = tpu.memref_slice %arg4[%dma_wait3A_303, %dma_wait3A_304] : memref<163842x128xf32, #tpu.memory_space<hbm>> -> memref<128x128xf32, #tpu.memory_space<hbm>>
    tpu.wait_dma2 semaphore(%arg13 : memref<!tpu.dma_semaphore, #tpu.memory_space<semaphore_mem>>) src(%arg7 : memref<128x128xf32, #tpu.memory_space<vmem>>) dst(%dma_wait3A_305 : memref<128x128xf32, #tpu.memory_space<hbm>>)
    %dma_wait3A_306 = arith.constant 0 : i32
    %dma_wait3A_307 = arith.constant 0 : i32
    %dma_wait3A_308 = tpu.memref_slice %arg4[%dma_wait3A_306, %dma_wait3A_307] : memref<163842x128xf32, #tpu.memory_space<hbm>> -> memref<128x128xf32, #tpu.memory_space<hbm>>
    %dma_wait3A_309 = arith.constant 0 : i32
    %dma_wait3A_310 = arith.constant 0 : i32
    %dma_wait3A_311 = tpu.memref_slice %arg4[%dma_wait3A_309, %dma_wait3A_310] : memref<163842x128xf32, #tpu.memory_space<hbm>> -> memref<128x128xf32, #tpu.memory_space<hbm>>
    tpu.wait_dma2 semaphore(%arg14 : memref<!tpu.dma_semaphore, #tpu.memory_space<semaphore_mem>>) src(%arg8 : memref<128x128xf32, #tpu.memory_space<vmem>>) dst(%dma_wait3A_311 : memref<128x128xf32, #tpu.memory_space<hbm>>)
    %eq3A_312 = arith.constant 31 : i32
    %eq3A_313 = arith.cmpi eq, %add3A, %eq3A_312 : i32
    %convert_element_type3A_314 = arith.extui %eq3A_313 : i1 to i32
    %cond3A_315 = arith.constant 0 : i32
    %cond3A_316 = arith.cmpi ne, %convert_element_type3A_314, %cond3A_315 : i32
    scf.if %cond3A_316 {
      %dma_wait3A_317 = arith.constant 0 : i32
      %dma_wait3A_318 = arith.constant 0 : i32
      %dma_wait3A_319 = tpu.memref_slice %arg2[%dma_wait3A_317, %dma_wait3A_318] : memref<40962x128xf32, #tpu.memory_space<hbm>> -> memref<2x128xf32, #tpu.memory_space<hbm>>
      %dma_wait3A_320 = arith.constant 0 : i32
      %dma_wait3A_321 = arith.constant 0 : i32
      %dma_wait3A_322 = tpu.memref_slice %arg2[%dma_wait3A_320, %dma_wait3A_321] : memref<40962x128xf32, #tpu.memory_space<hbm>> -> memref<2x128xf32, #tpu.memory_space<hbm>>
      tpu.wait_dma2 semaphore(%arg19 : memref<!tpu.dma_semaphore, #tpu.memory_space<semaphore_mem>>) src(%dma_wait3A_322 : memref<2x128xf32, #tpu.memory_space<hbm>>) dst(%arg9 : memref<2x128xf32, #tpu.memory_space<vmem>>)
      %dma_start3A_323 = arith.constant 40960 : i32
      %dma_start3A_324 = arith.constant 0 : i32
      %dma_start3A_325 = tpu.memref_slice %arg4[%dma_start3A_323, %dma_start3A_324] : memref<163842x128xf32, #tpu.memory_space<hbm>> -> memref<2x128xf32, #tpu.memory_space<hbm>>
      %dma_start3A_326 = arith.constant 40960 : i32
      %dma_start3A_327 = arith.constant 0 : i32
      %dma_start3A_328 = tpu.memref_slice %arg4[%dma_start3A_326, %dma_start3A_327] : memref<163842x128xf32, #tpu.memory_space<hbm>> -> memref<2x128xf32, #tpu.memory_space<hbm>>
      tpu.enqueue_dma source(%arg9 : memref<2x128xf32, #tpu.memory_space<vmem>>) target(%dma_start3A_328 : memref<2x128xf32, #tpu.memory_space<hbm>>) target_semaphore(%arg19 : memref<!tpu.dma_semaphore, #tpu.memory_space<semaphore_mem>>)
      %dma_wait3A_329 = arith.constant 0 : i32
      %dma_wait3A_330 = arith.constant 0 : i32
      %dma_wait3A_331 = tpu.memref_slice %arg4[%dma_wait3A_329, %dma_wait3A_330] : memref<163842x128xf32, #tpu.memory_space<hbm>> -> memref<2x128xf32, #tpu.memory_space<hbm>>
      %dma_wait3A_332 = arith.constant 0 : i32
      %dma_wait3A_333 = arith.constant 0 : i32
      %dma_wait3A_334 = tpu.memref_slice %arg4[%dma_wait3A_332, %dma_wait3A_333] : memref<163842x128xf32, #tpu.memory_space<hbm>> -> memref<2x128xf32, #tpu.memory_space<hbm>>
      tpu.wait_dma2 semaphore(%arg19 : memref<!tpu.dma_semaphore, #tpu.memory_space<semaphore_mem>>) src(%arg9 : memref<2x128xf32, #tpu.memory_space<vmem>>) dst(%dma_wait3A_334 : memref<2x128xf32, #tpu.memory_space<hbm>>)
    } else {
    }
    return
  }
}

</mosaic_0001>

<sc_bundles>
// kernel: kernel.3.cloned.1.call-start
scs
__scs_entry_jumppad:
0x0: {  	(pc) =	sbr.rel $0x88, $3  }
0x1: {  	(tag) =	ssettag $0x0;
	lr =	simm.s32 $0x1  }
0x2: {  	[smem:$0x3F9F] =	sst lr;
	_ =	strace $0xD0000000  }
0x3: {  	_ = 	snop  }
0x4: {  	_ = 	snop  }
0x5: {  	_ = 	snop  }
0x6: {  	_ = 	snop  }
0x7: {  	_ = 	snop  }
__scs_overlays_trampoline_lowered:
0x8: {  	[smem:$0x3FAE] =	sst s0  }
0x9: {  	[smem:$0x3FAF] =	sst s1  }
0xa: {  	[smem:$0x3FB0] =	sst s2  }
0xb: {  	[smem:$0x3FB1] =	sst s3  }
0xc: {  	[smem:$0x3FB2] =	sst s4  }
0xd: {  	[smem:$0x3FB3] =	sst s5  }
0xe: {  	[smem:$0x3FB4] =	sst s6  }
0xf: {  	[smem:$0x3FB5] =	sst s7  }
0x10: {  	[smem:$0x3FB6] =	sst s8  }
0x11: {  	[smem:$0x3FB7] =	sst s9;
	s0 =	simm.s32 @!p0 $0x0  }
0x12: {  	s1 =	sld [smem:$0x3F9D];
	s0 =	simm.s32 @p0 $0x1  }
0x13: {  	[smem:$0x3FB8] =	sst s0;
	s0 =	simm.s32 @!p1 $0x0  }
0x14: {  	s2 =	sld [smem:$0x3F9C];
	s0 =	simm.s32 @p1 $0x1  }
0x15: {  	[smem:$0x3FB9] =	sst s0;
	s0 =	simm.s32 @!p2 $0x0  }
0x16: {  	s3 =	sld [smem:$0x3FDB];
	s0 =	simm.s32 @p2 $0x1  }
0x17: {  	s4 =	simm.s32 $0x1BF5;
	[smem:$0x3FBB] =	sst s0  }
0x18: {  	s0 =	sld [smem:$0x3F9E];
	_ =	swait.ge [sflag:s4], $0x0  }
0x19: {  	s7 =	sld [smem:$0x3F9F]  }
0x1a: {  	s8 =	sadd.s32 $0xFFFFE003, lr  }
0x1b: {  	s9 =	sadd.s32 $0xFFFFFEF7, lr;
	s5 =	simm.s32 $0xFFFFFFFF;
	p2 =	slt.u32 s8, $0xFFFFF086  }
0x1c: {  	p1 =	slt.u32 s9, $0xF7A;
	s5 =	simm.s32 @!p2 $0x0  }
0x1d: {  	s5 =	simm.s32 @p1 $0x1;
	p0 =	seq.s32 s7, s2  }
0x1e: {  	s7 =	smul.u32 @!p0 $0xF7A, s2;
	p2 =	seq.s32 @!p0 s5, $0x0  }
0x1f: {  	s9 =	smul.u32 $0xF7A, s1;
	s8 =	simm.s32 @!p0 $0x1BF5;
	p2 =	por !p2, p0  }
0x20: {  	[sflag:s8] =	ssyncset.s32 @!p0 $0xFFFFF086;
	s6 =	sadd.s32 @!p0 s3, s7;
	s7 =	simm.s32 @!p0 $0x108  }
0x21: {  	s3 =	sadd.s32 s3, s9;
	s6 =	sadd.s32 @!p0 $0x88, s6;
	s7 =	simm.s32 @p2 $0x1082  }
0x22: {  	[simem:s7], [sflag:s8] =	dma.local @!p0 [hbm:s6], $0xF7A  }
0x23: {  	s9 =	sor.u32 $0xD0000000, s2;
	s6 =	simm.s32 $0x108;
	_ =	swait.ge @!p0 [sflag:s8], $0x0  }
0x24: {  	s3 =	sadd.s32 $0x88, s3;
	s6 =	simm.s32 @!p1 $0x1082;
	[sflag:s4] =	ssyncset.s32 $0xFFFFF086  }
0x25: {  	[simem:s6], [sflag:s4] =	dma.local [hbm:s3], $0xF7A  }
0x26: {  	[smem:$0x3F9F] =	sst s1;
	(tag) =	ssettag s2;
	_ =	strace s9  }
0x27: {  	s1 =	sld [smem:$0x3FAF]  }
0x28: {  	s2 =	sld [smem:$0x3FB0]  }
0x29: {  	s4 =	sld [smem:$0x3FB2]  }
0x2a: {  	p0 =	seq.s32 s5, $0x0;
	s5 =	sld [smem:$0x3FB3]  }
0x2b: {  	s6 =	sld [smem:$0x3FB4]  }
0x2c: {  	s7 =	sld [smem:$0x3FB5]  }
0x2d: {  	s3 =	simm.s32 $0x108;
	s8 =	sld [smem:$0x3FB6]  }
0x2e: {  	s3 =	simm.s32 @!p0 $0x1082;
	s9 =	sld [smem:$0x3FB7]  }
0x2f: {  	lr =	sadd.s32 s0, s3;
	s0 =	sld [smem:$0x3FAE]  }
0x30: {  	s3 =	sld [smem:$0x3FB1]  }
0x31: {  	[smem:$0x3FBA] =	sst s10  }
0x32: {  	s10 =	sld [smem:$0x3FB8];
	_ =	sdelay $0x3  }
0x33: {  	p0 =	seq.s32 s10, $0x1;
	s10 =	sld [smem:$0x3FBA];
	_ =	sdelay $0x3  }
0x34: {  	[smem:$0x3FBA] =	sst s10  }
0x35: {  	s10 =	sld [smem:$0x3FB9];
	_ =	sdelay $0x3  }
0x36: {  	p1 =	seq.s32 s10, $0x1;
	s10 =	sld [smem:$0x3FBA];
	_ =	sdelay $0x3  }
0x37: {  	[smem:$0x3FBA] =	sst s10  }
0x38: {  	s10 =	sld [smem:$0x3FBB]  }
0x39: {  	_ = 	snop;
	(pc) =	sbr.ind lr, $3  }
0x3a: {  	_ = 	snop  }
0x3b: {  	_ = 	snop  }
0x3c: {  	p2 =	seq.s32 s10, $0x1;
	s10 =	sld [smem:$0x3FBA]  }
0x3d: {  	_ =	shalt  }
0x3e: {  	_ =	shalt  }
0x3f: {  	_ =	shalt  }
0x40: {  	_ =	shalt  }
0x41: {  	_ =	shalt  }
0x42: {  	_ =	shalt  }
0x43: {  	_ =	shalt  }
0x44: {  	_ =	shalt  }
0x45: {  	_ =	shalt  }
0x46: {  	_ =	shalt  }
0x47: {  	_ =	shalt  }
0x48: {  	_ =	shalt  }
0x49: {  	_ =	shalt  }
0x4a: {  	_ =	shalt  }
0x4b: {  	_ =	shalt  }
0x4c: {  	_ =	shalt  }
0x4d: {  	_ =	shalt  }
0x4e: {  	_ =	shalt  }
0x4f: {  	_ =	shalt  }
0x50: {  	_ =	shalt  }
0x51: {  	_ =	shalt  }
0x52: {  	_ =	shalt  }
0x53: {  	_ =	shalt  }
0x54: {  	_ =	shalt  }
0x55: {  	_ =	shalt  }
0x56: {  	_ =	shalt  }
0x57: {  	_ =	shalt  }
0x58: {  	_ =	shalt  }
0x59: {  	_ =	shalt  }
0x5a: {  	_ =	shalt  }
0x5b: {  	_ =	shalt  }
0x5c: {  	_ =	shalt  }
0x5d: {  	_ =	shalt  }
0x5e: {  	_ =	shalt  }
0x5f: {  	_ =	shalt  }
0x60: {  	_ =	shalt  }
0x61: {  	_ =	shalt  }
0x62: {  	_ =	shalt  }
0x63: {  	_ =	shalt  }
0x64: {  	_ =	shalt  }
0x65: {  	_ =	shalt  }
0x66: {  	_ =	shalt  }
0x67: {  	_ =	shalt  }
0x68: {  	_ =	shalt  }
0x69: {  	_ =	shalt  }
0x6a: {  	_ =	shalt  }
0x6b: {  	_ =	shalt  }
0x6c: {  	_ =	shalt  }
0x6d: {  	_ =	shalt  }
0x6e: {  	_ =	shalt  }
0x6f: {  	_ =	shalt  }
0x70: {  	_ =	shalt  }
0x71: {  	_ =	shalt  }
0x72: {  	_ =	shalt  }
0x73: {  	_ =	shalt  }
0x74: {  	_ =	shalt  }
0x75: {  	_ =	shalt  }
0x76: {  	_ =	shalt  }
0x77: {  	_ =	shalt  }
0x78: {  	_ =	shalt  }
0x79: {  	_ =	shalt  }
0x7a: {  	_ =	shalt  }
0x7b: {  	_ =	shalt  }
0x7c: {  	_ =	shalt  }
0x7d: {  	_ =	shalt  }
0x7e: {  	_ =	shalt  }
0x7f: {  	_ =	shalt  }
0x80: {  	_ =	shalt  }
0x81: {  	_ =	shalt  }
0x82: {  	_ =	shalt  }
0x83: {  	_ =	shalt  }
0x84: {  	_ =	shalt  }
0x85: {  	_ =	shalt  }
0x86: {  	_ =	shalt  }
0x87: {  	_ =	shalt  }
.Lfunc_end0:
.L_simem_size_0:
called_computation_lowered:
.L_overlay_start_0:
0x88: {  	s2 =	sld [smem:$0x3FD9]  }
0x89: {  	s3 =	sld [smem:$0x3FFE];
	_ =	sdelay $0x1  }
0x8a: {  	s1 =	srdreg.scid  }
0x8b: {  	s0 =	sand.u32 $0x1, s1  }
0x8c: {  	s18 =	sshll.u32 s0, $0xA;
	s2 =	sadd.s32 s3, s2  }
0x8d: {  	s2 =	sadd.s32 s2, s18  }
0x8e: {  	[smem:$0x3FC6] =	sst s2  }
0x8f: {  	_ = 	snop  }
0x90: {  	s2 =	sld [smem:$0x3FC9]  }
0x91: {  	s19 =	sld [smem:$0x3FC8]  }
0x92: {  	s4 =	sld [smem:$0x3FD0];
	(tm) =	ssettm $0x1  }
0x93: {  	s5 =	sld [smem:$0x3FFB];
	_ =	sdelay $0x3  }
0x94: {  	_ =	strace s5  }
0x95: {  	s5 =	sld [smem:$0x3FFC];
	_ =	sdelay $0x3  }
0x96: {  	_ =	strace s5  }
0x97: {  	s5 =	sld [smem:$0x3FFD];
	_ =	sdelay $0x3  }
0x98: {  	_ =	strace s5  }
0x99: {  	_ =	strace $0x8FFFFFFF  }
0x9a: {  	s20 =	sld [smem:$0x3FDB];
	_ =	sdelay $0x1  }
0x9b: {  	s6 =	simm.s32 $_scs_section_size  }
0x9c: {  	s7 =	simm.s32 $_size__tile_overlayer_lowered;
	s8 =	simm.s32 $_tile_overlayer_lowered  }
0x9d: {  	s23 =	simm.s32 $0x1BFF;
	s22 =	sshll.u32 s8, $0x1;
	s5 =	sadd.s32 s6, s20  }
0x9e: {  	s9 =	simm.s32 $0x0;
	s21 =	sshll.u32 s7, $0x1;
	s7 =	sadd.s32 s22, s5  }
0x9f: {  	[timem:s9], [sflag:s23] =	dma.local [hbm:s7], s21  }
0xa0: {  	_ =	swait.ge [sflag:s23], s21  }
0xa1: {  	s6 =	ssub.s32 $0x0, s21;
	[sflag:s23] =	ssyncset.done $0x0  }
0xa2: {  	[sflag:s23] =	ssyncadd.s32 s6;
	_ =	sdelay $0x1  }
0xa3: {  	s24 =	simm.s32 $0x1B8B  }
0xa4: {  	_ =	swait.ge [sflag:s24], $0x1  }
0xa5: {  	[sflag:s24] =	ssyncset.done $0x0  }
0xa6: {  	s25 =	simm.s32 $0x1B8E;
	[sflag:s24] =	ssyncadd.s32 $0xFFFFFFFF  }
0xa7: {  	s26 =	simm.s32 $execute0_lowered;
	[smem:$0x3FD2] =	sst s25  }
0xa8: {  	s6 =	sshll.u32 s26, $0x1;
	_ =	strace $0x80000046;
	[dreg:$0x1] =	wrdreg $0xFFFFFFFF  }
0xa9: {  	s28 =	simm.s32 $_size_execute0_lowered;
	s5 =	sadd.s32 s5, s6;
	[dreg:$0x0] =	wrdreg $0x0  }
0xaa: {  	s6 =	sshll.u32 s28, $0x1;
	[dreg:$0x2] =	wrdreg s5  }
0xab: {  	[dreg:$0x3] =	wrdreg s6  }
0xac: {  	[dreg:$0x4] =	wrdreg $0xC0  }
0xad: {  	_ =	task [dreg:s9], $0x5FFFF  }
0xae: {  	[dreg:$0x1] =	wrdreg $0xFFFFFFFF  }
0xaf: {  	[dreg:$0x0] =	wrdreg $0x60  }
0xb0: {  	[dreg:$0x2] =	wrdreg s2  }
0xb1: {  	[dreg:$0x3] =	wrdreg s19  }
0xb2: {  	[dreg:$0x4] =	wrdreg s4  }
0xb3: {  	[dreg:$0x5] =	wrdreg $0x9  }
0xb4: {  	_ =	task.clear_ibuf [dreg:s9], $0x6FFFF;
	_ =	strace $0x90000046  }
0xb5: {  	s29 =	simm.s32 $0x9;
	_ =	strace $0x80000048  }
0xb6: {  	_ =	swait.ge [sflag:s29], $0x1  }
0xb7: {  	[sflag:s29] =	ssyncadd.s32 $0xFFFFFFFF  }
0xb8: {  	_ =	strace $0x90000048  }
0xb9: {  	_ =	sfence  }
0xba: {  	s30 =	sld [smem:$0x0];
	_ =	sdelay $0x2  }
0xbb: {  	s31 =	sshll.u32 s1, $0xD;
	s1 =	sshrl.u32 s1, $0x2  }
0xbc: {  	s3 =	sand.u32 $0x4000, s31;
	s1 =	sadd.s32 s1, s30  }
0xbd: {  	s0 =	sor.u32 s3, s0;
	s1 =	sshll.u32 s1, $0x11  }
0xbe: {  	s0 =	sor.u32 s1, s0  }
0xbf: {  	s0 =	sadd.s32 $0x8F2B, s0  }
0xc0: {  	[sflag:s0] =	ssyncadd.remote.s32 $0x1  }
0xc1: {  	_ =	sfence.sel $0xFFFF  }
0xc2: {  	[dreg:$0x0] =	wrdreg $0xFFFFFFFF;
	(pc) =	sbr.abs _section_cstart, $3  }
0xc3: {  	[dreg:$0x1] =	wrdreg $0xFFFFFFFF  }
0xc4: {  	_ =	task.clear_ibuf [dreg:s9], $0x2FFFF;
	_ =	strace $0x9FFFFFFF  }
0xc5: {  	(tm) =	ssettm $0x7FFFFFFF  }
tec
execute0_lowered:
.L_overlay_start_1:
0x0: {  	(tag) =	ssettag $0x1  }
0x1: {  	s0 =	srdreg.scid;
	s3 =	stileid.u32  }
0x2: {  	s1 =	rddreg [dreg:$0x0];
	s0 =	sand.u32 $0x1, s0;
	s3 =	sshll.u32 s3, $0x1  }
0x3: {  	s2 =	rddreg [dreg:$0x1];
	s5 =	sor.u32 s0, s3  }
0x4: {  	s4 =	rddreg [dreg:$0x2];
	s30 =	sadd.s32 $0xA0000, s1;
	s6 =	smul.u32 $0x3C0, s5  }
0x5: {  	s3 =	simm.s32 $0x0;
	s0 =	ssub.s32 $0x2, s0;
	s7 =	smul.u32 $0x5000, s5  }
0x6: {  	[smem:$0x7FF] =	sst s3;
	s8 =	sshrl.u32 s0, $0x1;
	s9 =	smul.u32 $0x28000, s5  }
0x7: {  	p0 =	sne.s32 s5, $0x1F;
	s26 =	smul.u32 $0xF000, s5;
	s5 =	simm.s32 $0x10000  }
0x8: {  	_ =	strace $0x80000047;
	s0 =	ssub.s32 s0, s8;
	s2 =	sadd.s32 s2, s6  }
0x9: {  	s8 =	sadd.s32 s1, s7;
	s10 =	sor.u32 $0x800, s7;
	s11 =	sshrl.u32 s9, $0x3  }
0xa: {  	s7 =	sadd.s32 s4, s7;
	s6 =	simm.s32 $0x14000;
	[dreg:$0x4] =	wrdreg s2  }
0xb: {  	s9 =	simm.s32 $0x6;
	[dreg:$0x5] =	wrdreg s8;
	s12 =	sadd.s32 s1, s10  }
0xc: {  	[dreg:$0x7] =	wrdreg s7;
	s13 =	sadd.s32 $0x1000, s11;
	s2 =	sadd.s32 s4, s10  }
0xd: {  	s15 =	sadd.s32 $0x1800, s11;
	s17 =	sadd.s32 $0x2000, s11;
	s19 =	sadd.s32 $0x2800, s11  }
0xe: {  	s21 =	sadd.s32 $0x3000, s11;
	s23 =	sadd.s32 $0x3800, s11;
	[dreg:$0x6] =	wrdreg s12  }
0xf: {  	s25 =	sadd.s32 $0x4000, s11;
	s14 =	sadd.s32 s1, s13;
	[dreg:$0x9] =	wrdreg s2  }
0x10: {  	s31 =	sadd.s32 $0x4800, s11;
	s16 =	sadd.s32 s1, s15;
	[dreg:$0x8] =	wrdreg s14  }
0x11: {  	s8 =	simm.s32 $0x7;
	s7 =	sadd.s32 s4, s13;
	[dreg:$0xa] =	wrdreg s16  }
0x12: {  	s10 =	simm.s32 $0x8;
	s18 =	sadd.s32 s1, s17;
	[dreg:$0xb] =	wrdreg s7  }
0x13: {  	s11 =	simm.s32 $0x1;
	s2 =	sadd.s32 s4, s15;
	[dreg:$0xc] =	wrdreg s18  }
0x14: {  	s20 =	sadd.s32 s1, s19;
	s22 =	sadd.s32 s1, s21;
	[dreg:$0xd] =	wrdreg s2  }
0x15: {  	s24 =	sadd.s32 s1, s23;
	s12 =	simm.s32 $0x2;
	[dreg:$0xe] =	wrdreg s20  }
0x16: {  	s13 =	simm.s32 $0x4;
	s15 =	simm.s32 $0x0;
	[dreg:$0x10] =	wrdreg s22  }
0x17: {  	s7 =	sadd.s32 s4, s17;
	s2 =	sadd.s32 s4, s19;
	[dreg:$0x12] =	wrdreg s24  }
0x18: {  	s22 =	sadd.s32 s4, s25;
	s24 =	sadd.s32 s4, s31;
	[dreg:$0xf] =	wrdreg s7  }
0x19: {  	s14 =	simm.s32 $0x3;
	[dreg:$0x11] =	wrdreg s2;
	s7 =	sadd.s32 s4, s21  }
.Ltmp0:
0x1a: {  	s2 =	sadd.s32 s4, s23;
	s21 =	sadd.s32 s1, s25;
	(pc) =	sbr.rel .LBB2_1-.Ltmp0, $4  }
0x1b: {  	s23 =	sadd.s32 s1, s31;
	s25 =	sadd.s32 $0xA0000, s4;
	[dreg:$0x13] =	wrdreg s7  }
0x1c: {  	[dreg:$0x14] =	wrdreg s2;
	s2 =	sadd.s32 s4, s26;
	s26 =	smax.u32 s0, $0x1  }
0x1d: {  	s0 =	simm.s32 $0x100;
	s4 =	simm.s32 $0x8000;
	s7 =	simm.s32 $0x5  }
0x1e: {  	s28 =	sadd.s32 $0xA0020, s2;
	s29 =	sadd.s32 $0xA0820, s2;
	s2 =	simm.s32 $0xA  }
.LBB2_12:
0x1f: {  	_ =	swait.ge [sflag:s14], $0x4000  }
0x20: {  	[sflag:s14] =	ssyncset.done $0x0  }
0x21: {  	[sflag:s14] =	ssyncadd.s32 $0xFFFFC000  }
0x22: {  	_ =	swait.ge [sflag:s13], $0x4000  }
0x23: {  	[sflag:s13] =	ssyncset.done $0x0  }
0x24: {  	s16 =	simm.s32 @!p0 $0x9;
	[sflag:s13] =	ssyncadd.s32 $0xFFFFC000  }
0x25: {  	s15 =	sadd.s32 $0x1, s15;
	_ =	swait.ge @!p0 [sflag:s16], $0x100  }
0x26: {  	s17 =	simm.s32 @!p0 $0x0;
	p1 =	sne.s32 s15, s26;
	[sflag:s16] =	ssyncset.done @!p0 $0x0  }
.Ltmp1:
0x27: {  	s18 =	simm.s32 @!p0 $0x18000;
	[sflag:s16] =	ssyncadd.s32 @!p0 $0xFFFFFF00;
	(pc) =	sbr.rel @!p1 .LBB2_13-.Ltmp1, $4  }
0x28: {  	[hbm4b:s25+s17] =	stream.linear.scatter @!p0 [tilespmem:s18], [sflag:$0x9], $0x100, $0x38;
	[tilespmem:$0x19F00] =	vst v63  }
0x29: {  	_ =	swait.ge @!p0 [sflag:s16], $0x100  }
0x2a: {  	[sflag:s16] =	ssyncset.done @!p0 $0x0  }
0x2b: {  	[sflag:s16] =	ssyncadd.s32 @!p0 $0xFFFFFF00  }
.LBB2_1:
0x2c: {  	s16 =	rddreg [dreg:$0x4];
	s17 =	simm.s32 $0x18100  }
0x2d: {  	[tilespmem:s17], [sflag:$0xA] =	stream.linear.gather [hbm4b:s16+s3], $0x1E00, $0x38;
	[tilespmem:$0x19F00] =	vst v63  }
0x2e: {  	_ =	swait.ge [sflag:s2], $0x1E00  }
0x2f: {  	[sflag:s2] =	ssyncset.done $0x0  }
0x30: {  	[sflag:s2] =	ssyncadd.s32 $0xFFFFE200  }
0x31: {  	[tilespmem:s3], [sflag:$0x1] =	stream.indirect.gather [hbm4b:s1+s0], $0x80, s17, s0, $0xb8;
	[tilespmem:$0x19F00] =	vst v63  }
0x32: {  	s20 =	simm.s32 $0x18200  }
0x33: {  	[tilespmem:s4], [sflag:$0x2] =	stream.indirect.gather [hbm4b:s1+s0], $0x80, s20, s0, $0xb8;
	[tilespmem:$0x19F00] =	vst v63  }
0x34: {  	s31 =	rddreg [dreg:$0x5]  }
0x35: {  	[tilespmem:s5], [sflag:$0x5] =	stream.linear.gather [hbm4b:s31+s3], $0x4000, $0x38;
	[tilespmem:$0x19F00] =	vst v63  }
0x36: {  	s17 =	rddreg [dreg:$0x6]  }
0x37: {  	[tilespmem:s6], [sflag:$0x6] =	stream.linear.gather [hbm4b:s17+s3], $0x4000, $0x38;
	[tilespmem:$0x19F00] =	vst v63  }
0x38: {  	_ =	swait.ge [sflag:s7], $0x4000  }
0x39: {  	[sflag:s7] =	ssyncset.done $0x0  }
0x3a: {  	s18 =	rddreg [dreg:$0x7];
	[sflag:s7] =	ssyncadd.s32 $0xFFFFC000  }
0x3b: {  	[hbm4b:s18+s3] =	stream.linear.scatter [tilespmem:s5], [sflag:$0x7], $0x4000, $0x38;
	[tilespmem:$0x19F00] =	vst v63  }
0x3c: {  	_ =	swait.ge [sflag:s8], $0x4000  }
0x3d: {  	[sflag:s8] =	ssyncset.done $0x0  }
0x3e: {  	s19 =	rddreg [dreg:$0x8];
	[sflag:s8] =	ssyncadd.s32 $0xFFFFC000  }
0x3f: {  	[tilespmem:s5], [sflag:$0x5] =	stream.linear.gather [hbm4b:s19+s3], $0x4000, $0x38;
	[tilespmem:$0x19F00] =	vst v63  }
0x40: {  	_ =	swait.ge [sflag:s9], $0x4000  }
0x41: {  	[sflag:s9] =	ssyncset.done $0x0  }
0x42: {  	s20 =	rddreg [dreg:$0x9];
	[sflag:s9] =	ssyncadd.s32 $0xFFFFC000  }
0x43: {  	[hbm4b:s20+s3] =	stream.linear.scatter [tilespmem:s6], [sflag:$0x8], $0x4000, $0x38;
	[tilespmem:$0x19F00] =	vst v63  }
0x44: {  	_ =	swait.ge [sflag:s10], $0x4000  }
0x45: {  	[sflag:s10] =	ssyncset.done $0x0  }
0x46: {  	s31 =	rddreg [dreg:$0xa];
	[sflag:s10] =	ssyncadd.s32 $0xFFFFC000  }
0x47: {  	[tilespmem:s6], [sflag:$0x6] =	stream.linear.gather [hbm4b:s31+s3], $0x4000, $0x38;
	[tilespmem:$0x19F00] =	vst v63  }
0x48: {  	_ =	swait.ge [sflag:s7], $0x4000  }
0x49: {  	[sflag:s7] =	ssyncset.done $0x0  }
0x4a: {  	s17 =	rddreg [dreg:$0xb];
	[sflag:s7] =	ssyncadd.s32 $0xFFFFC000  }
0x4b: {  	[hbm4b:s17+s3] =	stream.linear.scatter [tilespmem:s5], [sflag:$0x7], $0x4000, $0x38;
	[tilespmem:$0x19F00] =	vst v63  }
0x4c: {  	_ =	swait.ge [sflag:s8], $0x4000  }
0x4d: {  	[sflag:s8] =	ssyncset.done $0x0  }
0x4e: {  	s18 =	rddreg [dreg:$0xc];
	[sflag:s8] =	ssyncadd.s32 $0xFFFFC000  }
0x4f: {  	[tilespmem:s5], [sflag:$0x5] =	stream.linear.gather [hbm4b:s18+s3], $0x4000, $0x38;
	[tilespmem:$0x19F00] =	vst v63  }
0x50: {  	_ =	swait.ge [sflag:s9], $0x4000  }
0x51: {  	[sflag:s9] =	ssyncset.done $0x0  }
0x52: {  	s19 =	rddreg [dreg:$0xd];
	[sflag:s9] =	ssyncadd.s32 $0xFFFFC000  }
0x53: {  	[hbm4b:s19+s3] =	stream.linear.scatter [tilespmem:s6], [sflag:$0x8], $0x4000, $0x38;
	[tilespmem:$0x19F00] =	vst v63  }
0x54: {  	_ =	swait.ge [sflag:s10], $0x4000  }
0x55: {  	[sflag:s10] =	ssyncset.done $0x0  }
0x56: {  	s20 =	rddreg [dreg:$0xe];
	[sflag:s10] =	ssyncadd.s32 $0xFFFFC000  }
0x57: {  	[tilespmem:s6], [sflag:$0x6] =	stream.linear.gather [hbm4b:s20+s3], $0x4000, $0x38;
	[tilespmem:$0x19F00] =	vst v63  }
0x58: {  	_ =	swait.ge [sflag:s7], $0x4000  }
0x59: {  	[sflag:s7] =	ssyncset.done $0x0  }
0x5a: {  	s31 =	rddreg [dreg:$0xf];
	[sflag:s7] =	ssyncadd.s32 $0xFFFFC000  }
0x5b: {  	[hbm4b:s31+s3] =	stream.linear.scatter [tilespmem:s5], [sflag:$0x7], $0x4000, $0x38;
	[tilespmem:$0x19F00] =	vst v63  }
0x5c: {  	_ =	swait.ge [sflag:s8], $0x4000  }
0x5d: {  	[sflag:s8] =	ssyncset.done $0x0  }
0x5e: {  	s17 =	rddreg [dreg:$0x10];
	[sflag:s8] =	ssyncadd.s32 $0xFFFFC000  }
0x5f: {  	[tilespmem:s5], [sflag:$0x5] =	stream.linear.gather [hbm4b:s17+s3], $0x4000, $0x38;
	[tilespmem:$0x19F00] =	vst v63  }
0x60: {  	_ =	swait.ge [sflag:s9], $0x4000  }
0x61: {  	[sflag:s9] =	ssyncset.done $0x0  }
0x62: {  	s18 =	rddreg [dreg:$0x11];
	[sflag:s9] =	ssyncadd.s32 $0xFFFFC000  }
0x63: {  	[hbm4b:s18+s3] =	stream.linear.scatter [tilespmem:s6], [sflag:$0x8], $0x4000, $0x38;
	[tilespmem:$0x19F00] =	vst v63  }
0x64: {  	_ =	swait.ge [sflag:s10], $0x4000  }
0x65: {  	[sflag:s10] =	ssyncset.done $0x0  }
0x66: {  	s19 =	rddreg [dreg:$0x12];
	[sflag:s10] =	ssyncadd.s32 $0xFFFFC000  }
0x67: {  	[tilespmem:s6], [sflag:$0x6] =	stream.linear.gather [hbm4b:s19+s3], $0x4000, $0x38;
	[tilespmem:$0x19F00] =	vst v63  }
0x68: {  	_ =	swait.ge [sflag:s7], $0x4000  }
0x69: {  	[sflag:s7] =	ssyncset.done $0x0  }
0x6a: {  	s20 =	rddreg [dreg:$0x13];
	[sflag:s7] =	ssyncadd.s32 $0xFFFFC000  }
0x6b: {  	[hbm4b:s20+s3] =	stream.linear.scatter [tilespmem:s5], [sflag:$0x7], $0x4000, $0x38;
	[tilespmem:$0x19F00] =	vst v63  }
0x6c: {  	_ =	swait.ge [sflag:s8], $0x4000  }
0x6d: {  	[sflag:s8] =	ssyncset.done $0x0  }
0x6e: {  	[sflag:s8] =	ssyncadd.s32 $0xFFFFC000  }
0x6f: {  	[tilespmem:s5], [sflag:$0x5] =	stream.linear.gather [hbm4b:s21+s3], $0x4000, $0x38;
	[tilespmem:$0x19F00] =	vst v63  }
0x70: {  	_ =	swait.ge [sflag:s9], $0x4000  }
0x71: {  	[sflag:s9] =	ssyncset.done $0x0  }
0x72: {  	s31 =	rddreg [dreg:$0x14];
	[sflag:s9] =	ssyncadd.s32 $0xFFFFC000  }
0x73: {  	[hbm4b:s31+s3] =	stream.linear.scatter [tilespmem:s6], [sflag:$0x8], $0x4000, $0x38;
	[tilespmem:$0x19F00] =	vst v63  }
0x74: {  	_ =	swait.ge [sflag:s10], $0x4000  }
0x75: {  	[sflag:s10] =	ssyncset.done $0x0  }
0x76: {  	[sflag:s10] =	ssyncadd.s32 $0xFFFFC000  }
0x77: {  	[tilespmem:s6], [sflag:$0x6] =	stream.linear.gather [hbm4b:s23+s3], $0x4000, $0x38;
	[tilespmem:$0x19F00] =	vst v63  }
0x78: {  	_ =	swait.ge [sflag:s7], $0x4000  }
0x79: {  	[sflag:s7] =	ssyncset.done $0x0  }
0x7a: {  	[sflag:s7] =	ssyncadd.s32 $0xFFFFC000  }
0x7b: {  	[hbm4b:s22+s3] =	stream.linear.scatter [tilespmem:s5], [sflag:$0x7], $0x4000, $0x38;
	[tilespmem:$0x19F00] =	vst v63  }
0x7c: {  	_ =	swait.ge [sflag:s9], $0x4000  }
0x7d: {  	[sflag:s9] =	ssyncset.done $0x0  }
0x7e: {  	[sflag:s9] =	ssyncadd.s32 $0xFFFFC000  }
0x7f: {  	[hbm4b:s24+s3] =	stream.linear.scatter [tilespmem:s6], [sflag:$0x8], $0x4000, $0x38;
	[tilespmem:$0x19F00] =	vst v63  }
0x80: {  	_ =	swait.ge [sflag:s10], $0x4000  }
0x81: {  	[sflag:s10] =	ssyncset.done $0x0  }
0x82: {  	[sflag:s10] =	ssyncadd.s32 $0xFFFFC000  }
0x83: {  	_ =	swait.ge [sflag:s8], $0x4000  }
0x84: {  	[sflag:s8] =	ssyncset.done $0x0  }
0x85: {  	s16 =	simm.s32 @!p0 $0x0;
	s17 =	simm.s32 @!p0 $0x18000;
	[sflag:s8] =	ssyncadd.s32 $0xFFFFC000  }
0x86: {  	[tilespmem:s17], [sflag:$0x9] =	stream.linear.gather @!p0 [hbm4b:s30+s16], $0x100, $0x38;
	[tilespmem:$0x19F00] =	vst v63  }
0x87: {  	s16 =	simm.s32 $0x0  }
.LBB2_2:
0x88: {  	_ =	swait.ge [sflag:s11], $0x8000  }
0x89: {  	p1 =	seq.s32 s16, $0x0;
	[sflag:s11] =	ssyncset.done $0x0  }
0x8a: {  	s17 =	simm.s32 @!p1 $0x3;
	[sflag:s11] =	ssyncadd.s32 $0xFFFF8000  }
0x8b: {  	_ =	swait.ge @!p1 [sflag:s17], $0x4000  }
0x8c: {  	[sflag:s17] =	ssyncset.done @!p1 $0x0  }
0x8d: {  	s18 =	simm.s32 $0x0;
	[sflag:s17] =	ssyncadd.s32 @!p1 $0xFFFFC000  }
0x8e: {  	v0 =	vld [tilespmem:s18+$0x0]  }
0x8f: {  	v1 =	vld [tilespmem:s18+$0x4000]  }
0x90: {  	v2 =	vld [tilespmem:s18+$0x10]  }
0x91: {  	v3 =	vld [tilespmem:s18+$0x4010]  }
0x92: {  	v4 =	vld [tilespmem:s18+$0x20]  }
0x93: {  	v5 =	vld [tilespmem:s18+$0x4020]  }
0x94: {  	v6 =	vld [tilespmem:s18+$0x4030]  }
0x95: {  	v7 =	vld [tilespmem:s18+$0x40]  }
0x96: {  	v8 =	vld [tilespmem:s18+$0x1F0]  }
0x97: {  	v9 =	vld [tilespmem:s18+$0x4050]  }
0x98: {  	v10 =	vld [tilespmem:s18+$0x41F0]  }
0x99: {  	v11 =	vld [tilespmem:s18+$0x4060]  }
0x9a: {  	v12 =	vld [tilespmem:s18+$0x80]  }
0x9b: {  	v13 =	vld [tilespmem:s18+$0x4080]  }
0x9c: {  	v14 =	vld [tilespmem:s18+$0x90]  }
0x9d: {  	v15 =	vld [tilespmem:s18+$0x4090]  }
0x9e: {  	v16 =	vld [tilespmem:s18+$0xA0]  }
0x9f: {  	v44 =	vld [tilespmem:s18+$0xB0]  }
0xa0: {  	v17 =	vld [tilespmem:s18+$0x40B0]  }
0xa1: {  	v18 =	vld [tilespmem:s18+$0xC0]  }
0xa2: {  	v45 =	vld [tilespmem:s18+$0x40C0]  }
0xa3: {  	v46 =	vld [tilespmem:s18+$0x70]  }
0xa4: {  	v47 =	vld [tilespmem:s18+$0xD0]  }
0xa5: {  	v19 =	vld [tilespmem:s18+$0x40D0]  }
0xa6: {  	v20 =	vld [tilespmem:s18+$0x4070]  }
0xa7: {  	v21 =	vld [tilespmem:s18+$0x100]  }
0xa8: {  	v22 =	vld [tilespmem:s18+$0x4100]  }
0xa9: {  	v23 =	vld [tilespmem:s18+$0x110]  }
0xaa: {  	v24 =	vld [tilespmem:s18+$0x4110]  }
0xab: {  	v25 =	vld [tilespmem:s18+$0x120]  }
0xac: {  	v26 =	vld [tilespmem:s18+$0x4120]  }
0xad: {  	v48 =	vld [tilespmem:s18+$0x130]  }
0xae: {  	v27 =	vld [tilespmem:s18+$0x4130];
	v0 =	vadd.f32 v1, v0  }
0xaf: {  	v50 =	vld [tilespmem:s18+$0x140];
	v4 =	vadd.f32 v5, v4  }
0xb0: {  	v5 =	vld [tilespmem:s18+$0x40A0];
	v12 =	vadd.f32 v13, v12;
	v0 =	vmul.f32 $5.000000000e-01, v0  }
0xb1: {  	v1 =	vld [tilespmem:s18+$0x30];
	v21 =	vadd.f32 v22, v21;
	v4 =	vmul.f32 $5.000000000e-01, v4  }
0xb2: {  	v51 =	vld [tilespmem:s18+$0x4140];
	v2 =	vadd.f32 v3, v2;
	v12 =	vmul.f32 $5.000000000e-01, v12;
	[tilespmem:s18+$0x10000] =	vst v0  }
0xb3: {  	v3 =	vld [tilespmem:s18+$0x4040];
	v23 =	vadd.f32 v24, v23;
	v49 =	vmul.f32 $5.000000000e-01, v21;
	[tilespmem:s18+$0x10020] =	vst v4  }
0xb4: {  	v52 =	vld [tilespmem:s18+$0x40E0];
	v8 =	vadd.f32 v10, v8;
	v0 =	vmul.f32 $5.000000000e-01, v2;
	[tilespmem:s18+$0x10080] =	vst v12  }
0xb5: {  	v53 =	vmul.f32 $5.000000000e-01, v23;
	v2 =	vld [tilespmem:s18+$0x50];
	[tilespmem:s18+$0x10100] =	vst v49;
	v5 =	vadd.f32 v5, v16  }
0xb6: {  	v4 =	vadd.f32 v15, v14;
	v1 =	vadd.f32 v6, v1;
	v6 =	vmul.f32 $5.000000000e-01, v8;
	[tilespmem:s18+$0x10010] =	vst v0;
	v0 =	vld [tilespmem:s18+$0x60]  }
0xb7: {  	v54 =	vld [tilespmem:s18+$0x150];
	[tilespmem:s18+$0x10110] =	vst v53;
	v5 =	vmul.f32 $5.000000000e-01, v5  }
0xb8: {  	v55 =	vld [tilespmem:s18+$0x4150];
	v3 =	vadd.f32 v3, v7;
	v4 =	vmul.f32 $5.000000000e-01, v4;
	[tilespmem:s18+$0x101F0] =	vst v6  }
0xb9: {  	v8 =	vld [tilespmem:s18+$0xF0];
	v1 =	vmul.f32 $5.000000000e-01, v1;
	[tilespmem:s18+$0x100A0] =	vst v5;
	v5 =	vadd.f32 v26, v25  }
0xba: {  	v7 =	vld [tilespmem:s18+$0x160];
	v3 =	vmul.f32 $5.000000000e-01, v3;
	[tilespmem:s18+$0x10090] =	vst v4;
	v2 =	vadd.f32 v9, v2  }
0xbb: {  	v4 =	vld [tilespmem:s18+$0xE0];
	[tilespmem:s18+$0x10030] =	vst v1;
	v5 =	vmul.f32 $5.000000000e-01, v5;
	v0 =	vadd.f32 v11, v0  }
0xbc: {  	v6 =	vld [tilespmem:s18+$0x4160];
	[tilespmem:s18+$0x10040] =	vst v3;
	v1 =	vmul.f32 $5.000000000e-01, v2;
	v2 =	vadd.f32 v20, v46  }
0xbd: {  	v3 =	vadd.f32 v17, v44;
	[tilespmem:s18+$0x10120] =	vst v5;
	v5 =	vld [tilespmem:s18+$0x40F0];
	v0 =	vmul.f32 $5.000000000e-01, v0  }
0xbe: {  	v56 =	vld [tilespmem:s18+$0x170];
	[tilespmem:s18+$0x10050] =	vst v1;
	v1 =	vmul.f32 $5.000000000e-01, v2;
	v2 =	vadd.f32 v45, v18  }
0xbf: {  	v58 =	vld [tilespmem:s18+$0x180];
	[tilespmem:s18+$0x10060] =	vst v0;
	v0 =	vmul.f32 $5.000000000e-01, v3;
	v3 =	vadd.f32 v19, v47  }
0xc0: {  	v59 =	vld [tilespmem:s18+$0x4180];
	[tilespmem:s18+$0x10070] =	vst v1;
	v1 =	vmul.f32 $5.000000000e-01, v2;
	v2 =	vadd.f32 v52, v4  }
0xc1: {  	v6 =	vadd.f32 v6, v7;
	v4 =	vld [tilespmem:s18+$0x190];
	[tilespmem:s18+$0x100B0] =	vst v0;
	v0 =	vmul.f32 $5.000000000e-01, v3  }
0xc2: {  	[tilespmem:s18+$0x100C0] =	vst v1;
	v1 =	vmul.f32 $5.000000000e-01, v2;
	v2 =	vadd.f32 v27, v48;
	v3 =	vadd.f32 v5, v8;
	v5 =	vld [tilespmem:s18+$0x4190]  }
0xc3: {  	v57 =	vld [tilespmem:s18+$0x4170];
	v6 =	vmul.f32 $5.000000000e-01, v6;
	[tilespmem:s18+$0x100D0] =	vst v0  }
0xc4: {  	v60 =	vld [tilespmem:s18+$0x41A0];
	[tilespmem:s18+$0x100E0] =	vst v1;
	v1 =	vmul.f32 $5.000000000e-01, v2;
	v0 =	vmul.f32 $5.000000000e-01, v3;
	v3 =	vadd.f32 v51, v50  }
0xc5: {  	[tilespmem:s18+$0x10160] =	vst v6;
	v8 =	vld [tilespmem:s18+$0x1A0];
	v2 =	vadd.f32 v59, v58  }
0xc6: {  	v61 =	vld [tilespmem:s18+$0x1B0];
	v62 =	vadd.f32 v55, v54;
	[tilespmem:s18+$0x10130] =	vst v1;
	v3 =	vmul.f32 $5.000000000e-01, v3  }
0xc7: {  	v63 =	vld [tilespmem:s18+$0x41B0];
	v2 =	vmul.f32 $5.000000000e-01, v2;
	[tilespmem:s18+$0x100F0] =	vst v0;
	v4 =	vadd.f32 v5, v4  }
0xc8: {  	v1 =	vld [tilespmem:s18+$0x41C0];
	v5 =	vadd.f32 v57, v56;
	[tilespmem:s18+$0x10140] =	vst v3;
	v3 =	vmul.f32 $5.000000000e-01, v62  }
0xc9: {  	v0 =	vld [tilespmem:s18+$0x1C0];
	[tilespmem:s18+$0x10180] =	vst v2;
	v4 =	vmul.f32 $5.000000000e-01, v4  }
0xca: {  	v2 =	vld [tilespmem:s18+$0x1D0];
	v6 =	vadd.f32 v60, v8;
	v5 =	vmul.f32 $5.000000000e-01, v5;
	[tilespmem:s18+$0x10150] =	vst v3  }
0xcb: {  	v3 =	vld [tilespmem:s18+$0x41D0];
	[tilespmem:s18+$0x10190] =	vst v4  }
0xcc: {  	s19 =	simm.s32 $0x800;
	s17 =	simm.s32 $0x0;
	[tilespmem:s18+$0x10170] =	vst v5;
	v5 =	vmul.f32 $5.000000000e-01, v6;
	v6 =	vadd.f32 v63, v61;
	v4 =	vld [tilespmem:s18+$0x1E0]  }
.LBB2_3:
0xcd: {  	s31 =	sshra.s32 s19, $0x2;
	v7 =	vld [tilespmem:s18+$0x41E0]  }
0xce: {  	s17 =	sadd.s32 $0x4, s17;
	v8 =	vld [tilespmem:s31+$0x1F0];
	[tilespmem:s18+$0x101A0] =	vst v5;
	v5 =	vmul.f32 $5.000000000e-01, v6;
	v0 =	vadd.f32 v1, v0  }
0xcf: {  	p2 =	slt.u32 s17, $0x7C;
	v1 =	vld [tilespmem:s31+$0x41F0]  }
0xd0: {  	v6 =	vld [tilespmem:s31+$0x0];
	[tilespmem:s18+$0x101B0] =	vst v5;
	v0 =	vmul.f32 $5.000000000e-01, v0;
	v2 =	vadd.f32 v3, v2  }
0xd1: {  	v3 =	vld [tilespmem:s31+$0x4000]  }
0xd2: {  	v5 =	vld [tilespmem:s31+$0x10];
	[tilespmem:s18+$0x101C0] =	vst v0;
	v0 =	vmul.f32 $5.000000000e-01, v2;
	v2 =	vadd.f32 v7, v4  }
0xd3: {  	v4 =	vld [tilespmem:s31+$0x4010]  }
0xd4: {  	v7 =	vld [tilespmem:s31+$0x20];
	v1 =	vadd.f32 v1, v8;
	[tilespmem:s18+$0x101D0] =	vst v0;
	v0 =	vmul.f32 $5.000000000e-01, v2  }
0xd5: {  	v2 =	vld [tilespmem:s31+$0x4020]  }
0xd6: {  	v3 =	vadd.f32 v3, v6;
	v6 =	vld [tilespmem:s31+$0x30];
	v1 =	vmul.f32 $5.000000000e-01, v1;
	[tilespmem:s18+$0x101E0] =	vst v0;
	s18 =	smov.u32 s31  }
0xd7: {  	v0 =	vld [tilespmem:s18+$0x4030]  }
0xd8: {  	v3 =	vmul.f32 $5.000000000e-01, v3;
	v4 =	vadd.f32 v4, v5;
	v5 =	vld [tilespmem:s18+$0x40];
	[tilespmem:s18+$0x101F0] =	vst v1  }
0xd9: {  	v1 =	vld [tilespmem:s18+$0x4040]  }
0xda: {  	[tilespmem:s18+$0x10000] =	vst v3;
	v3 =	vmul.f32 $5.000000000e-01, v4;
	v2 =	vadd.f32 v2, v7;
	v4 =	vld [tilespmem:s18+$0x50]  }
0xdb: {  	v7 =	vld [tilespmem:s18+$0x4050]  }
0xdc: {  	[tilespmem:s18+$0x10010] =	vst v3;
	v2 =	vmul.f32 $5.000000000e-01, v2;
	v0 =	vadd.f32 v0, v6;
	v3 =	vld [tilespmem:s18+$0x60]  }
0xdd: {  	v6 =	vld [tilespmem:s18+$0x4060]  }
0xde: {  	[tilespmem:s18+$0x10020] =	vst v2;
	v0 =	vmul.f32 $5.000000000e-01, v0;
	v1 =	vadd.f32 v1, v5;
	v2 =	vld [tilespmem:s18+$0x70]  }
0xdf: {  	v5 =	vld [tilespmem:s18+$0x4070]  }
0xe0: {  	[tilespmem:s18+$0x10030] =	vst v0;
	v0 =	vmul.f32 $5.000000000e-01, v1;
	v1 =	vadd.f32 v7, v4;
	v4 =	vld [tilespmem:s18+$0x80]  }
0xe1: {  	v7 =	vld [tilespmem:s18+$0x4080]  }
0xe2: {  	[tilespmem:s18+$0x10040] =	vst v0;
	v0 =	vmul.f32 $5.000000000e-01, v1;
	v1 =	vadd.f32 v6, v3;
	v3 =	vld [tilespmem:s18+$0x90]  }
0xe3: {  	v6 =	vld [tilespmem:s18+$0x4090]  }
0xe4: {  	[tilespmem:s18+$0x10050] =	vst v0;
	v0 =	vmul.f32 $5.000000000e-01, v1;
	v1 =	vadd.f32 v5, v2;
	v2 =	vld [tilespmem:s18+$0xA0]  }
0xe5: {  	v5 =	vld [tilespmem:s18+$0x40A0]  }
0xe6: {  	[tilespmem:s18+$0x10060] =	vst v0;
	v0 =	vmul.f32 $5.000000000e-01, v1;
	v1 =	vadd.f32 v7, v4;
	v4 =	vld [tilespmem:s18+$0xB0]  }
0xe7: {  	v7 =	vld [tilespmem:s18+$0x40B0]  }
0xe8: {  	[tilespmem:s18+$0x10070] =	vst v0;
	v0 =	vmul.f32 $5.000000000e-01, v1;
	v1 =	vadd.f32 v6, v3;
	v3 =	vld [tilespmem:s18+$0xC0]  }
0xe9: {  	v6 =	vld [tilespmem:s18+$0x40C0]  }
0xea: {  	[tilespmem:s18+$0x10080] =	vst v0;
	v0 =	vmul.f32 $5.000000000e-01, v1;
	v1 =	vadd.f32 v5, v2;
	v2 =	vld [tilespmem:s18+$0xD0]  }
0xeb: {  	v5 =	vld [tilespmem:s18+$0x40D0]  }
0xec: {  	[tilespmem:s18+$0x10090] =	vst v0;
	v0 =	vmul.f32 $5.000000000e-01, v1;
	v1 =	vadd.f32 v7, v4;
	v4 =	vld [tilespmem:s18+$0xE0]  }
0xed: {  	v7 =	vld [tilespmem:s18+$0x40E0]  }
0xee: {  	[tilespmem:s18+$0x100A0] =	vst v0;
	v0 =	vmul.f32 $5.000000000e-01, v1;
	v1 =	vadd.f32 v6, v3;
	v3 =	vld [tilespmem:s18+$0xF0]  }
0xef: {  	v6 =	vld [tilespmem:s18+$0x40F0]  }
0xf0: {  	[tilespmem:s18+$0x100B0] =	vst v0;
	v0 =	vmul.f32 $5.000000000e-01, v1;
	v1 =	vadd.f32 v5, v2;
	v2 =	vld [tilespmem:s18+$0x100]  }
0xf1: {  	v5 =	vld [tilespmem:s18+$0x4100]  }
0xf2: {  	[tilespmem:s18+$0x100C0] =	vst v0;
	v0 =	vmul.f32 $5.000000000e-01, v1;
	v1 =	vadd.f32 v7, v4;
	v4 =	vld [tilespmem:s18+$0x110]  }
0xf3: {  	v7 =	vld [tilespmem:s18+$0x4110]  }
0xf4: {  	[tilespmem:s18+$0x100D0] =	vst v0;
	v0 =	vmul.f32 $5.000000000e-01, v1;
	v1 =	vadd.f32 v6, v3;
	v3 =	vld [tilespmem:s18+$0x120]  }
0xf5: {  	v6 =	vld [tilespmem:s18+$0x4120]  }
0xf6: {  	[tilespmem:s18+$0x100E0] =	vst v0;
	v0 =	vmul.f32 $5.000000000e-01, v1;
	v1 =	vadd.f32 v5, v2;
	v2 =	vld [tilespmem:s18+$0x130]  }
0xf7: {  	v5 =	vld [tilespmem:s18+$0x4130]  }
0xf8: {  	[tilespmem:s18+$0x100F0] =	vst v0;
	v0 =	vmul.f32 $5.000000000e-01, v1;
	v1 =	vadd.f32 v7, v4;
	v4 =	vld [tilespmem:s18+$0x140]  }
0xf9: {  	v7 =	vld [tilespmem:s18+$0x4140]  }
0xfa: {  	[tilespmem:s18+$0x10100] =	vst v0;
	v0 =	vmul.f32 $5.000000000e-01, v1;
	v1 =	vadd.f32 v6, v3;
	v3 =	vld [tilespmem:s18+$0x150]  }
0xfb: {  	v6 =	vld [tilespmem:s18+$0x4150]  }
0xfc: {  	[tilespmem:s18+$0x10110] =	vst v0;
	v0 =	vmul.f32 $5.000000000e-01, v1;
	v1 =	vadd.f32 v5, v2;
	v2 =	vld [tilespmem:s18+$0x160]  }
0xfd: {  	v5 =	vld [tilespmem:s18+$0x4160]  }
0xfe: {  	[tilespmem:s18+$0x10120] =	vst v0;
	v0 =	vmul.f32 $5.000000000e-01, v1;
	v1 =	vadd.f32 v7, v4;
	v4 =	vld [tilespmem:s18+$0x170]  }
0xff: {  	v7 =	vld [tilespmem:s18+$0x4170]  }
0x100: {  	[tilespmem:s18+$0x10130] =	vst v0;
	v0 =	vmul.f32 $5.000000000e-01, v1;
	v1 =	vadd.f32 v6, v3;
	v3 =	vld [tilespmem:s18+$0x180]  }
0x101: {  	v6 =	vld [tilespmem:s18+$0x4180]  }
0x102: {  	[tilespmem:s18+$0x10140] =	vst v0;
	v0 =	vmul.f32 $5.000000000e-01, v1;
	v1 =	vadd.f32 v5, v2;
	v2 =	vld [tilespmem:s18+$0x190]  }
0x103: {  	v5 =	vld [tilespmem:s18+$0x4190]  }
0x104: {  	[tilespmem:s18+$0x10150] =	vst v0;
	v0 =	vmul.f32 $5.000000000e-01, v1;
	v1 =	vadd.f32 v7, v4;
	v4 =	vld [tilespmem:s18+$0x1A0]  }
0x105: {  	v7 =	vld [tilespmem:s18+$0x41A0]  }
0x106: {  	[tilespmem:s18+$0x10160] =	vst v0;
	v0 =	vmul.f32 $5.000000000e-01, v1;
	v1 =	vadd.f32 v6, v3;
	v6 =	vld [tilespmem:s18+$0x1B0]  }
0x107: {  	v8 =	vld [tilespmem:s18+$0x41B0]  }
.Ltmp2:
0x108: {  	[tilespmem:s18+$0x10170] =	vst v0;
	v3 =	vmul.f32 $5.000000000e-01, v1;
	v2 =	vadd.f32 v5, v2;
	v0 =	vld [tilespmem:s18+$0x1C0];
	(pc) =	sbr.rel @p2 .LBB2_3-.Ltmp2, $4  }
0x109: {  	v1 =	vld [tilespmem:s18+$0x41C0]  }
0x10a: {  	[tilespmem:s18+$0x10180] =	vst v3;
	v5 =	vmul.f32 $5.000000000e-01, v2;
	v4 =	vadd.f32 v7, v4;
	v2 =	vld [tilespmem:s18+$0x1D0]  }
0x10b: {  	v3 =	vld [tilespmem:s18+$0x41D0]  }
0x10c: {  	s19 =	sadd.s32 $0x800, s19;
	[tilespmem:s18+$0x10190] =	vst v5;
	v5 =	vmul.f32 $5.000000000e-01, v4;
	v6 =	vadd.f32 v8, v6;
	v4 =	vld [tilespmem:s18+$0x1E0]  }
0x10d: {  	v7 =	vld [tilespmem:s18+$0x41E0];
	_ =	sdelay $0x2  }
0x10e: {  	v0 =	vadd.f32 v1, v0  }
0x10f: {  	v60 =	vmul.f32 $5.000000000e-01, v6;
	v2 =	vadd.f32 v3, v2  }
0x110: {  	p2 =	sne.s32 s16, $0xE;
	[tilespmem:s18+$0x101A0] =	vst v5;
	v0 =	vmul.f32 $5.000000000e-01, v0;
	v61 =	vadd.f32 v7, v4  }
.Ltmp3:
0x111: {  	[tilespmem:s18+$0x101B0] =	vst v60;
	v62 =	vmul.f32 $5.000000000e-01, v2;
	(pc) =	sbr.rel @p2 .LBB2_6-.Ltmp3, $4  }
0x112: {  	[tilespmem:s18+$0x101C0] =	vst v0;
	v63 =	vmul.f32 $5.000000000e-01, v61  }
0x113: {  	s17 =	sshll.u32 s16, $0xC;
	[tilespmem:s18+$0x101D0] =	vst v62  }
0x114: {  	s31 =	sadd.s32 s17, s28;
	[tilespmem:s18+$0x101E0] =	vst v63  }
0x115: {  	[hbm4b:s31+s3] =	stream.linear.scatter [tilespmem:s5], [sflag:$0x3], $0x4000, $0x38;
	[tilespmem:$0x19F00] =	vst v63  }
.Ltmp4:
0x116: {  	(pc) =	sbr.rel .LBB2_7-.Ltmp4, $4  }
0x117: {  	_ = 	snop  }
0x118: {  	_ =	swait.ge [sflag:s12], $0x8000  }
0x119: {  	[sflag:s12] =	ssyncset.done $0x0  }
0x11a: {  	[sflag:s12] =	ssyncadd.s32 $0xFFFF8000  }
.LBB2_6:
0x11b: {  	s18 =	sshll.u32 s16, $0x9  }
0x11c: {  	s18 =	sand.u32 $0x3FFFFE00, s18  }
.Ltmp5:
0x11d: {  	s18 =	sadd.s32 $0x18300, s18;
	(pc) =	sbr.rel @p1 .LBB2_8-.Ltmp5, $4  }
0x11e: {  	[tilespmem:s3], [sflag:$0x1] =	stream.indirect.gather [hbm4b:s1+s0], $0x80, s18, s0, $0xb8;
	[tilespmem:$0x19F00] =	vst v63  }
0x11f: {  	_ =	swait.ge [sflag:s12], $0x8000  }
0x120: {  	[sflag:s12] =	ssyncset.done $0x0  }
0x121: {  	[sflag:s12] =	ssyncadd.s32 $0xFFFF8000  }
.LBB2_7:
0x122: {  	_ =	swait.ge [sflag:s13], $0x4000  }
0x123: {  	[sflag:s13] =	ssyncset.done $0x0  }
0x124: {  	[sflag:s13] =	ssyncadd.s32 $0xFFFFC000  }
.LBB2_8:
0x125: {  	s18 =	simm.s32 $0x0  }
0x126: {  	v0 =	vld [tilespmem:s18+$0x8000]  }
0x127: {  	v1 =	vld [tilespmem:s18+$0xC000]  }
0x128: {  	v2 =	vld [tilespmem:s18+$0x8010]  }
0x129: {  	v3 =	vld [tilespmem:s18+$0xC010]  }
0x12a: {  	v4 =	vld [tilespmem:s18+$0x8020]  }
0x12b: {  	v5 =	vld [tilespmem:s18+$0xC020]  }
0x12c: {  	v6 =	vld [tilespmem:s18+$0xC030]  }
0x12d: {  	v7 =	vld [tilespmem:s18+$0x8040]  }
0x12e: {  	v8 =	vld [tilespmem:s18+$0x81F0]  }
0x12f: {  	v9 =	vld [tilespmem:s18+$0xC050]  }
0x130: {  	v10 =	vld [tilespmem:s18+$0xC1F0]  }
0x131: {  	v11 =	vld [tilespmem:s18+$0xC060]  }
0x132: {  	v12 =	vld [tilespmem:s18+$0x8080]  }
0x133: {  	v13 =	vld [tilespmem:s18+$0xC080]  }
0x134: {  	v14 =	vld [tilespmem:s18+$0x8090]  }
0x135: {  	v15 =	vld [tilespmem:s18+$0xC090]  }
0x136: {  	v16 =	vld [tilespmem:s18+$0x80A0]  }
0x137: {  	v44 =	vld [tilespmem:s18+$0x80B0]  }
0x138: {  	v17 =	vld [tilespmem:s18+$0xC0B0]  }
0x139: {  	v18 =	vld [tilespmem:s18+$0x80C0]  }
0x13a: {  	v45 =	vld [tilespmem:s18+$0xC0C0]  }
0x13b: {  	v46 =	vld [tilespmem:s18+$0x8070]  }
0x13c: {  	v47 =	vld [tilespmem:s18+$0x80D0]  }
0x13d: {  	v19 =	vld [tilespmem:s18+$0xC0D0]  }
0x13e: {  	v20 =	vld [tilespmem:s18+$0xC070]  }
0x13f: {  	v21 =	vld [tilespmem:s18+$0x8100]  }
0x140: {  	v22 =	vld [tilespmem:s18+$0xC100]  }
0x141: {  	v23 =	vld [tilespmem:s18+$0x8110]  }
0x142: {  	v24 =	vld [tilespmem:s18+$0xC110]  }
0x143: {  	v25 =	vld [tilespmem:s18+$0x8120]  }
0x144: {  	v26 =	vld [tilespmem:s18+$0xC120]  }
0x145: {  	v48 =	vld [tilespmem:s18+$0x8130]  }
0x146: {  	v27 =	vld [tilespmem:s18+$0xC130];
	v0 =	vadd.f32 v1, v0  }
0x147: {  	v50 =	vld [tilespmem:s18+$0x8140];
	v4 =	vadd.f32 v5, v4  }
0x148: {  	v5 =	vld [tilespmem:s18+$0xC0A0];
	v12 =	vadd.f32 v13, v12;
	v0 =	vmul.f32 $5.000000000e-01, v0  }
0x149: {  	v1 =	vld [tilespmem:s18+$0x8030];
	v21 =	vadd.f32 v22, v21;
	v4 =	vmul.f32 $5.000000000e-01, v4  }
0x14a: {  	v51 =	vld [tilespmem:s18+$0xC140];
	v2 =	vadd.f32 v3, v2;
	v12 =	vmul.f32 $5.000000000e-01, v12;
	[tilespmem:s18+$0x14000] =	vst v0  }
0x14b: {  	v3 =	vld [tilespmem:s18+$0xC040];
	v23 =	vadd.f32 v24, v23;
	v49 =	vmul.f32 $5.000000000e-01, v21;
	[tilespmem:s18+$0x14020] =	vst v4  }
0x14c: {  	v52 =	vld [tilespmem:s18+$0xC0E0];
	v8 =	vadd.f32 v10, v8;
	v0 =	vmul.f32 $5.000000000e-01, v2;
	[tilespmem:s18+$0x14080] =	vst v12  }
0x14d: {  	v53 =	vmul.f32 $5.000000000e-01, v23;
	v2 =	vld [tilespmem:s18+$0x8050];
	[tilespmem:s18+$0x14100] =	vst v49;
	v5 =	vadd.f32 v5, v16  }
0x14e: {  	v4 =	vadd.f32 v15, v14;
	v1 =	vadd.f32 v6, v1;
	v6 =	vmul.f32 $5.000000000e-01, v8;
	[tilespmem:s18+$0x14010] =	vst v0;
	v0 =	vld [tilespmem:s18+$0x8060]  }
0x14f: {  	v54 =	vld [tilespmem:s18+$0x8150];
	[tilespmem:s18+$0x14110] =	vst v53;
	v5 =	vmul.f32 $5.000000000e-01, v5  }
0x150: {  	v55 =	vld [tilespmem:s18+$0xC150];
	v3 =	vadd.f32 v3, v7;
	v4 =	vmul.f32 $5.000000000e-01, v4;
	[tilespmem:s18+$0x141F0] =	vst v6  }
0x151: {  	v8 =	vld [tilespmem:s18+$0x80F0];
	v1 =	vmul.f32 $5.000000000e-01, v1;
	[tilespmem:s18+$0x140A0] =	vst v5;
	v5 =	vadd.f32 v26, v25  }
0x152: {  	v7 =	vld [tilespmem:s18+$0x8160];
	v3 =	vmul.f32 $5.000000000e-01, v3;
	[tilespmem:s18+$0x14090] =	vst v4;
	v2 =	vadd.f32 v9, v2  }
0x153: {  	v4 =	vld [tilespmem:s18+$0x80E0];
	[tilespmem:s18+$0x14030] =	vst v1;
	v5 =	vmul.f32 $5.000000000e-01, v5;
	v0 =	vadd.f32 v11, v0  }
0x154: {  	v6 =	vld [tilespmem:s18+$0xC160];
	[tilespmem:s18+$0x14040] =	vst v3;
	v1 =	vmul.f32 $5.000000000e-01, v2;
	v2 =	vadd.f32 v20, v46  }
0x155: {  	v3 =	vadd.f32 v17, v44;
	[tilespmem:s18+$0x14120] =	vst v5;
	v5 =	vld [tilespmem:s18+$0xC0F0];
	v0 =	vmul.f32 $5.000000000e-01, v0  }
0x156: {  	v56 =	vld [tilespmem:s18+$0x8170];
	[tilespmem:s18+$0x14050] =	vst v1;
	v1 =	vmul.f32 $5.000000000e-01, v2;
	v2 =	vadd.f32 v45, v18  }
0x157: {  	v58 =	vld [tilespmem:s18+$0x8180];
	[tilespmem:s18+$0x14060] =	vst v0;
	v0 =	vmul.f32 $5.000000000e-01, v3;
	v3 =	vadd.f32 v19, v47  }
0x158: {  	v59 =	vld [tilespmem:s18+$0xC180];
	[tilespmem:s18+$0x14070] =	vst v1;
	v1 =	vmul.f32 $5.000000000e-01, v2;
	v2 =	vadd.f32 v52, v4  }
0x159: {  	v6 =	vadd.f32 v6, v7;
	v4 =	vld [tilespmem:s18+$0x8190];
	[tilespmem:s18+$0x140B0] =	vst v0;
	v0 =	vmul.f32 $5.000000000e-01, v3  }
0x15a: {  	[tilespmem:s18+$0x140C0] =	vst v1;
	v1 =	vmul.f32 $5.000000000e-01, v2;
	v2 =	vadd.f32 v27, v48;
	v3 =	vadd.f32 v5, v8;
	v5 =	vld [tilespmem:s18+$0xC190]  }
0x15b: {  	v57 =	vld [tilespmem:s18+$0xC170];
	v6 =	vmul.f32 $5.000000000e-01, v6;
	[tilespmem:s18+$0x140D0] =	vst v0  }
0x15c: {  	v60 =	vld [tilespmem:s18+$0xC1A0];
	[tilespmem:s18+$0x140E0] =	vst v1;
	v1 =	vmul.f32 $5.000000000e-01, v2;
	v0 =	vmul.f32 $5.000000000e-01, v3;
	v3 =	vadd.f32 v51, v50  }
0x15d: {  	[tilespmem:s18+$0x14160] =	vst v6;
	v8 =	vld [tilespmem:s18+$0x81A0];
	v2 =	vadd.f32 v59, v58  }
0x15e: {  	v61 =	vld [tilespmem:s18+$0x81B0];
	v62 =	vadd.f32 v55, v54;
	[tilespmem:s18+$0x14130] =	vst v1;
	v3 =	vmul.f32 $5.000000000e-01, v3  }
0x15f: {  	v63 =	vld [tilespmem:s18+$0xC1B0];
	v2 =	vmul.f32 $5.000000000e-01, v2;
	[tilespmem:s18+$0x140F0] =	vst v0;
	v4 =	vadd.f32 v5, v4  }
0x160: {  	v1 =	vld [tilespmem:s18+$0xC1C0];
	v5 =	vadd.f32 v57, v56;
	[tilespmem:s18+$0x14140] =	vst v3;
	v3 =	vmul.f32 $5.000000000e-01, v62  }
0x161: {  	v0 =	vld [tilespmem:s18+$0x81C0];
	[tilespmem:s18+$0x14180] =	vst v2;
	v4 =	vmul.f32 $5.000000000e-01, v4  }
0x162: {  	v2 =	vld [tilespmem:s18+$0x81D0];
	v6 =	vadd.f32 v60, v8;
	v5 =	vmul.f32 $5.000000000e-01, v5;
	[tilespmem:s18+$0x14150] =	vst v3  }
0x163: {  	v3 =	vld [tilespmem:s18+$0xC1D0];
	[tilespmem:s18+$0x14190] =	vst v4  }
0x164: {  	s19 =	simm.s32 $0x0;
	s31 =	simm.s32 $0x800;
	[tilespmem:s18+$0x14170] =	vst v5;
	v5 =	vmul.f32 $5.000000000e-01, v6;
	v6 =	vadd.f32 v63, v61;
	v4 =	vld [tilespmem:s18+$0x81E0]  }
.LBB2_9:
0x165: {  	s20 =	sshra.s32 s31, $0x2;
	v7 =	vld [tilespmem:s18+$0xC1E0]  }
0x166: {  	s19 =	sadd.s32 $0x4, s19;
	v8 =	vld [tilespmem:s20+$0x81F0];
	[tilespmem:s18+$0x141A0] =	vst v5;
	v5 =	vmul.f32 $5.000000000e-01, v6;
	v0 =	vadd.f32 v1, v0  }
0x167: {  	p1 =	slt.u32 s19, $0x7C;
	v1 =	vld [tilespmem:s20+$0xC1F0]  }
0x168: {  	v6 =	vld [tilespmem:s20+$0x8000];
	[tilespmem:s18+$0x141B0] =	vst v5;
	v0 =	vmul.f32 $5.000000000e-01, v0;
	v2 =	vadd.f32 v3, v2  }
0x169: {  	v3 =	vld [tilespmem:s20+$0xC000]  }
0x16a: {  	v5 =	vld [tilespmem:s20+$0x8010];
	[tilespmem:s18+$0x141C0] =	vst v0;
	v0 =	vmul.f32 $5.000000000e-01, v2;
	v2 =	vadd.f32 v7, v4  }
0x16b: {  	v4 =	vld [tilespmem:s20+$0xC010]  }
0x16c: {  	v7 =	vld [tilespmem:s20+$0x8020];
	v1 =	vadd.f32 v1, v8;
	[tilespmem:s18+$0x141D0] =	vst v0;
	v0 =	vmul.f32 $5.000000000e-01, v2  }
0x16d: {  	v2 =	vld [tilespmem:s20+$0xC020]  }
0x16e: {  	v3 =	vadd.f32 v3, v6;
	v6 =	vld [tilespmem:s20+$0x8030];
	v1 =	vmul.f32 $5.000000000e-01, v1;
	[tilespmem:s18+$0x141E0] =	vst v0;
	s18 =	smov.u32 s20  }
0x16f: {  	v0 =	vld [tilespmem:s18+$0xC030]  }
0x170: {  	v3 =	vmul.f32 $5.000000000e-01, v3;
	v4 =	vadd.f32 v4, v5;
	v5 =	vld [tilespmem:s18+$0x8040];
	[tilespmem:s18+$0x141F0] =	vst v1  }
0x171: {  	v1 =	vld [tilespmem:s18+$0xC040]  }
0x172: {  	[tilespmem:s18+$0x14000] =	vst v3;
	v3 =	vmul.f32 $5.000000000e-01, v4;
	v2 =	vadd.f32 v2, v7;
	v4 =	vld [tilespmem:s18+$0x8050]  }
0x173: {  	v7 =	vld [tilespmem:s18+$0xC050]  }
0x174: {  	[tilespmem:s18+$0x14010] =	vst v3;
	v2 =	vmul.f32 $5.000000000e-01, v2;
	v0 =	vadd.f32 v0, v6;
	v3 =	vld [tilespmem:s18+$0x8060]  }
0x175: {  	v6 =	vld [tilespmem:s18+$0xC060]  }
0x176: {  	[tilespmem:s18+$0x14020] =	vst v2;
	v0 =	vmul.f32 $5.000000000e-01, v0;
	v1 =	vadd.f32 v1, v5;
	v2 =	vld [tilespmem:s18+$0x8070]  }
0x177: {  	v5 =	vld [tilespmem:s18+$0xC070]  }
0x178: {  	[tilespmem:s18+$0x14030] =	vst v0;
	v0 =	vmul.f32 $5.000000000e-01, v1;
	v1 =	vadd.f32 v7, v4;
	v4 =	vld [tilespmem:s18+$0x8080]  }
0x179: {  	v7 =	vld [tilespmem:s18+$0xC080]  }
0x17a: {  	[tilespmem:s18+$0x14040] =	vst v0;
	v0 =	vmul.f32 $5.000000000e-01, v1;
	v1 =	vadd.f32 v6, v3;
	v3 =	vld [tilespmem:s18+$0x8090]  }
0x17b: {  	v6 =	vld [tilespmem:s18+$0xC090]  }
0x17c: {  	[tilespmem:s18+$0x14050] =	vst v0;
	v0 =	vmul.f32 $5.000000000e-01, v1;
	v1 =	vadd.f32 v5, v2;
	v2 =	vld [tilespmem:s18+$0x80A0]  }
0x17d: {  	v5 =	vld [tilespmem:s18+$0xC0A0]  }
0x17e: {  	[tilespmem:s18+$0x14060] =	vst v0;
	v0 =	vmul.f32 $5.000000000e-01, v1;
	v1 =	vadd.f32 v7, v4;
	v4 =	vld [tilespmem:s18+$0x80B0]  }
0x17f: {  	v7 =	vld [tilespmem:s18+$0xC0B0]  }
0x180: {  	[tilespmem:s18+$0x14070] =	vst v0;
	v0 =	vmul.f32 $5.000000000e-01, v1;
	v1 =	vadd.f32 v6, v3;
	v3 =	vld [tilespmem:s18+$0x80C0]  }
0x181: {  	v6 =	vld [tilespmem:s18+$0xC0C0]  }
0x182: {  	[tilespmem:s18+$0x14080] =	vst v0;
	v0 =	vmul.f32 $5.000000000e-01, v1;
	v1 =	vadd.f32 v5, v2;
	v2 =	vld [tilespmem:s18+$0x80D0]  }
0x183: {  	v5 =	vld [tilespmem:s18+$0xC0D0]  }
0x184: {  	[tilespmem:s18+$0x14090] =	vst v0;
	v0 =	vmul.f32 $5.000000000e-01, v1;
	v1 =	vadd.f32 v7, v4;
	v4 =	vld [tilespmem:s18+$0x80E0]  }
0x185: {  	v7 =	vld [tilespmem:s18+$0xC0E0]  }
0x186: {  	[tilespmem:s18+$0x140A0] =	vst v0;
	v0 =	vmul.f32 $5.000000000e-01, v1;
	v1 =	vadd.f32 v6, v3;
	v3 =	vld [tilespmem:s18+$0x80F0]  }
0x187: {  	v6 =	vld [tilespmem:s18+$0xC0F0]  }
0x188: {  	[tilespmem:s18+$0x140B0] =	vst v0;
	v0 =	vmul.f32 $5.000000000e-01, v1;
	v1 =	vadd.f32 v5, v2;
	v2 =	vld [tilespmem:s18+$0x8100]  }
0x189: {  	v5 =	vld [tilespmem:s18+$0xC100]  }
0x18a: {  	[tilespmem:s18+$0x140C0] =	vst v0;
	v0 =	vmul.f32 $5.000000000e-01, v1;
	v1 =	vadd.f32 v7, v4;
	v4 =	vld [tilespmem:s18+$0x8110]  }
0x18b: {  	v7 =	vld [tilespmem:s18+$0xC110]  }
0x18c: {  	[tilespmem:s18+$0x140D0] =	vst v0;
	v0 =	vmul.f32 $5.000000000e-01, v1;
	v1 =	vadd.f32 v6, v3;
	v3 =	vld [tilespmem:s18+$0x8120]  }
0x18d: {  	v6 =	vld [tilespmem:s18+$0xC120]  }
0x18e: {  	[tilespmem:s18+$0x140E0] =	vst v0;
	v0 =	vmul.f32 $5.000000000e-01, v1;
	v1 =	vadd.f32 v5, v2;
	v2 =	vld [tilespmem:s18+$0x8130]  }
0x18f: {  	v5 =	vld [tilespmem:s18+$0xC130]  }
0x190: {  	[tilespmem:s18+$0x140F0] =	vst v0;
	v0 =	vmul.f32 $5.000000000e-01, v1;
	v1 =	vadd.f32 v7, v4;
	v4 =	vld [tilespmem:s18+$0x8140]  }
0x191: {  	v7 =	vld [tilespmem:s18+$0xC140]  }
0x192: {  	[tilespmem:s18+$0x14100] =	vst v0;
	v0 =	vmul.f32 $5.000000000e-01, v1;
	v1 =	vadd.f32 v6, v3;
	v3 =	vld [tilespmem:s18+$0x8150]  }
0x193: {  	v6 =	vld [tilespmem:s18+$0xC150]  }
0x194: {  	[tilespmem:s18+$0x14110] =	vst v0;
	v0 =	vmul.f32 $5.000000000e-01, v1;
	v1 =	vadd.f32 v5, v2;
	v2 =	vld [tilespmem:s18+$0x8160]  }
0x195: {  	v5 =	vld [tilespmem:s18+$0xC160]  }
0x196: {  	[tilespmem:s18+$0x14120] =	vst v0;
	v0 =	vmul.f32 $5.000000000e-01, v1;
	v1 =	vadd.f32 v7, v4;
	v4 =	vld [tilespmem:s18+$0x8170]  }
0x197: {  	v7 =	vld [tilespmem:s18+$0xC170]  }
0x198: {  	[tilespmem:s18+$0x14130] =	vst v0;
	v0 =	vmul.f32 $5.000000000e-01, v1;
	v1 =	vadd.f32 v6, v3;
	v3 =	vld [tilespmem:s18+$0x8180]  }
0x199: {  	v6 =	vld [tilespmem:s18+$0xC180]  }
0x19a: {  	[tilespmem:s18+$0x14140] =	vst v0;
	v0 =	vmul.f32 $5.000000000e-01, v1;
	v1 =	vadd.f32 v5, v2;
	v2 =	vld [tilespmem:s18+$0x8190]  }
0x19b: {  	v5 =	vld [tilespmem:s18+$0xC190]  }
0x19c: {  	[tilespmem:s18+$0x14150] =	vst v0;
	v0 =	vmul.f32 $5.000000000e-01, v1;
	v1 =	vadd.f32 v7, v4;
	v4 =	vld [tilespmem:s18+$0x81A0]  }
0x19d: {  	v7 =	vld [tilespmem:s18+$0xC1A0]  }
0x19e: {  	[tilespmem:s18+$0x14160] =	vst v0;
	v0 =	vmul.f32 $5.000000000e-01, v1;
	v1 =	vadd.f32 v6, v3;
	v6 =	vld [tilespmem:s18+$0x81B0]  }
0x19f: {  	v8 =	vld [tilespmem:s18+$0xC1B0]  }
.Ltmp6:
0x1a0: {  	[tilespmem:s18+$0x14170] =	vst v0;
	v3 =	vmul.f32 $5.000000000e-01, v1;
	v2 =	vadd.f32 v5, v2;
	v0 =	vld [tilespmem:s18+$0x81C0];
	(pc) =	sbr.rel @p1 .LBB2_9-.Ltmp6, $4  }
0x1a1: {  	v1 =	vld [tilespmem:s18+$0xC1C0]  }
0x1a2: {  	[tilespmem:s18+$0x14180] =	vst v3;
	v5 =	vmul.f32 $5.000000000e-01, v2;
	v4 =	vadd.f32 v7, v4;
	v2 =	vld [tilespmem:s18+$0x81D0]  }
0x1a3: {  	v3 =	vld [tilespmem:s18+$0xC1D0]  }
0x1a4: {  	s31 =	sadd.s32 $0x800, s31;
	[tilespmem:s18+$0x14190] =	vst v5;
	v5 =	vmul.f32 $5.000000000e-01, v4;
	v6 =	vadd.f32 v8, v6;
	v4 =	vld [tilespmem:s18+$0x81E0]  }
0x1a5: {  	v7 =	vld [tilespmem:s18+$0xC1E0];
	_ =	sdelay $0x2  }
0x1a6: {  	v0 =	vadd.f32 v1, v0  }
0x1a7: {  	v60 =	vmul.f32 $5.000000000e-01, v6;
	v2 =	vadd.f32 v3, v2  }
0x1a8: {  	p1 =	seq.s32 s16, $0xE;
	[tilespmem:s18+$0x141A0] =	vst v5;
	v0 =	vmul.f32 $5.000000000e-01, v0;
	v61 =	vadd.f32 v7, v4  }
.Ltmp7:
0x1a9: {  	[tilespmem:s18+$0x141B0] =	vst v60;
	v62 =	vmul.f32 $5.000000000e-01, v2;
	(pc) =	sbr.rel @p1 .LBB2_12-.Ltmp7, $4  }
0x1aa: {  	[tilespmem:s18+$0x141C0] =	vst v0;
	v63 =	vmul.f32 $5.000000000e-01, v61  }
0x1ab: {  	[tilespmem:s18+$0x141D0] =	vst v62  }
0x1ac: {  	s17 =	sadd.s32 s29, s17;
	[tilespmem:s18+$0x141E0] =	vst v63  }
0x1ad: {  	[hbm4b:s17+s3] =	stream.linear.scatter [tilespmem:s6], [sflag:$0x4], $0x4000, $0x38;
	[tilespmem:$0x19F00] =	vst v63  }
.Ltmp8:
0x1ae: {  	(pc) =	sbr.rel .LBB2_2-.Ltmp8, $4  }
0x1af: {  	s17 =	sshll.u32 s16, $0x9  }
0x1b0: {  	s17 =	sand.u32 $0x3FFFFE00, s17  }
0x1b1: {  	s16 =	sadd.s32 $0x1, s16;
	s17 =	sadd.s32 $0x18400, s17  }
0x1b2: {  	[tilespmem:s4], [sflag:$0x2] =	stream.indirect.gather [hbm4b:s1+s0], $0x80, s17, s0, $0xb8;
	[tilespmem:$0x19F00] =	vst v63  }
.LBB2_13:
0x1b3: {  	_ =	sfence.sel $0x180000  }
0x1b4: {  	[bflag:$0x0] =	sbarrier.arrive $0xFFFF  }
0x1b5: {  	_ =	strace $0x90000047  }
0x1b6: {  	s0 =	stileid.u32;
	[bflag:$0x2] =	sbarrier.arrive $0xFFFF  }
0x1b7: {  	p0 =	sne.s32 s0, $0x0;
	s0 =	rddreg [dreg:$0x3]  }
0x1b8: {  	s0 =	sadd.s32 @!p0 $0x100000, s0  }
0x1b9: {  	[sflag:s0] =	ssyncadd.tile.s32 @!p0 $0x1;
	_ =	shalt  }
.Lfunc_end2:
_tile_overlayer_lowered:
.L_overlay_start_2:
0x1ba: {  	(tag) =	ssettag $0x2  }
0x1bb: {  	s0 =	rddreg [dreg:$0x0];
	s2 =	stileid.u32  }
0x1bc: {  	s1 =	rddreg [dreg:$0x1];
	p0 =	sne.s32 s2, $0x0  }
0x1bd: {  	s3 =	rddreg [dreg:$0x2];
	[bflag:$0x3] =	sbarrier.arrive $0xFFFF;
	s2 =	simm.s32 @!p0 $0x1C0A  }
0x1be: {  	[timem:s3], [sflag:s2] =	dma.local @!p0 [hbm:s0], s1  }
0x1bf: {  	s0 =	simm.s32 @!p0 $0xA  }
0x1c0: {  	_ =	swait.ge @!p0 [sflag:s0], s1  }
0x1c1: {  	s1 =	ssub.s32 @!p0 $0x0, s1;
	[sflag:s0] =	ssyncset.done @!p0 $0x0  }
0x1c2: {  	[sflag:s0] =	ssyncadd.s32 @!p0 s1  }
0x1c3: {  	[bflag:$0x3] =	sbarrier.arrive $0xFFFF  }
0x1c4: {  	_ =	shalt  }

</sc_bundles>
